<compile_context>
chip_gen: v7x
topology: tpu7x:2x2x1
jax: 0.10.2.dev20260603
libtpu: 0.0.44.dev20260713+nightly
codegen_flags: <defaults>
</compile_context>

<pallas_src>
import jax
import jax.numpy as jnp
from jax.experimental import pallas as pl


def _gcn_conv(h, src, dst, ew, W, b):
    h = h @ W
    n = h.shape[0]
    loop = jnp.arange(n, dtype=src.dtype)
    src_f = jnp.concatenate([src, loop])
    dst_f = jnp.concatenate([dst, loop])
    ew_f = jnp.concatenate([ew, jnp.ones((n,), h.dtype)])
    deg = jnp.zeros((n,), h.dtype).at[dst_f].add(ew_f)
    deg_safe = jnp.maximum(deg, 1e-12)
    dinv = jnp.where(deg > 0, 1.0 / jnp.sqrt(deg_safe), 0.0)
    norm = dinv[src_f] * ew_f * dinv[dst_f]
    msg = h[src_f] * norm[:, None]
    out = jnp.zeros_like(h).at[dst_f].add(msg)
    return out + b


def _mlp_body(t_ref, w1_ref, b1_ref, w2_ref, b2_ref, w3_ref, b3_ref, o_ref):
    t = t_ref[...]
    t = jnp.maximum(t @ w1_ref[...] + b1_ref[...], 0.0)
    t = jnp.maximum(t @ w2_ref[...] + b2_ref[...], 0.0)
    o_ref[...] = (t @ w3_ref[...] + b3_ref[...])[0]


def kernel(x, edge_index, edge_attr, target_species_idx, W_in, b_in, W_g0, b_g0, W_g1, b_g1, W_g2, b_g2, W_o1, b_o1, W_o2, b_o2, W_s1, b_s1, W_s2, b_s2, W_s3, b_s3):
    src, dst = edge_index[0], edge_index[1]
    h = jax.nn.relu(x @ W_in + b_in)
    h = _gcn_conv(h, src, dst, edge_attr, W_g0, b_g0)
    h = jax.nn.relu(h)
    h = _gcn_conv(h, src, dst, edge_attr, W_g1, b_g1)
    h = jax.nn.relu(h)
    h = _gcn_conv(h, src, dst, edge_attr, W_g2, b_g2)
    h = jax.nn.relu(h @ W_o1 + b_o1) @ W_o2 + b_o2
    t = jax.lax.dynamic_slice_in_dim(h, target_species_idx, 1, axis=0)
    out = pl.pallas_call(
        _mlp_body,
        out_shape=jax.ShapeDtypeStruct((5,), jnp.float32),
    )(t, W_s1, b_s1, W_s2, b_s2, W_s3, b_s3)
    return out

# --- scband reference (transcript-rebuilt; emitter-appended) ---
"""Pipeline reference for scband-phylogenetic-gnn-21844203668127 (READ-ONLY COPY).

The authoritative reference and input builder live on the scoring server;
editing this copy changes nothing except your own understanding.
"""

import jax, jax.numpy as jnp
import numpy as np

N = 50000
E = 800000
D_IN = 128
H = 128
D_OUT = 256


def setup_inputs(seed: int = 0) -> dict:
    key = jax.random.key(seed)
    ks = jax.random.split(key, 16)
    inp = {}
    inp["x"] = jax.random.normal(ks[0], (N, D_IN), dtype=jnp.float32)
    inp["edge_index"] = jax.random.randint(ks[1], (2, E), 0, N, dtype=jnp.int32)
    inp["edge_attr"] = jax.random.uniform(ks[2], (E,), dtype=jnp.float32)
    inp["target_species_idx"] = 0

    def lin(k, i, o):
        return (jax.random.normal(k, (i, o), dtype=jnp.float32) / np.sqrt(i)).astype(jnp.float32)

    inp["W_in"] = lin(ks[3], D_IN, H)
    inp["b_in"] = jnp.zeros((H,), jnp.float32)
    inp["W_g0"] = lin(ks[4], H, H)
    inp["b_g0"] = jnp.zeros((H,), jnp.float32)
    inp["W_g1"] = lin(ks[5], H, H)
    inp["b_g1"] = jnp.zeros((H,), jnp.float32)
    inp["W_g2"] = lin(ks[6], H, H)
    inp["b_g2"] = jnp.zeros((H,), jnp.float32)
    inp["W_o1"] = lin(ks[7], H, 2 * H)
    inp["b_o1"] = jnp.zeros((2 * H,), jnp.float32)
    inp["W_o2"] = lin(ks[8], 2 * H, D_OUT)
    inp["b_o2"] = jnp.zeros((D_OUT,), jnp.float32)
    inp["W_s1"] = lin(ks[9], D_OUT, 256)
    inp["b_s1"] = jnp.zeros((256,), jnp.float32)
    inp["W_s2"] = lin(ks[10], 256, 128)
    inp["b_s2"] = jnp.zeros((128,), jnp.float32)
    inp["W_s3"] = lin(ks[11], 128, 5)
    inp["b_s3"] = jnp.zeros((5,), jnp.float32)
    return inp


def gcn_conv(h, src, dst, ew, W, b):
    # PyG GCNConv: h @ W, add self-loops (weight 1), symmetric normalization, scatter-add, + bias
    h = h @ W
    n = h.shape[0]
    loop = jnp.arange(n, dtype=src.dtype)
    src_f = jnp.concatenate([src, loop])
    dst_f = jnp.concatenate([dst, loop])
    ew_f = jnp.concatenate([ew, jnp.ones((n,), h.dtype)])
    deg = jnp.zeros((n,), h.dtype).at[dst_f].add(ew_f)
    deg_safe = jnp.maximum(deg, 1e-12)
    dinv = jnp.where(deg > 0, 1.0 / jnp.sqrt(deg_safe), 0.0)
    norm = dinv[src_f] * ew_f * dinv[dst_f]
    msg = h[src_f] * norm[:, None]
    out = jnp.zeros_like(h).at[dst_f].add(msg)
    return out + b


def reference(x, edge_index, edge_attr, target_species_idx, W_in, b_in, W_g0, b_g0, W_g1, b_g1, W_g2, b_g2, W_o1, b_o1, W_o2, b_o2, W_s1, b_s1, W_s2, b_s2, W_s3, b_s3):
    src, dst = edge_index[0], edge_index[1]
    h = jax.nn.relu(x @ W_in + b_in)
    h = gcn_conv(h, src, dst, edge_attr, W_g0, b_g0)
    h = jax.nn.relu(h)  # dropout is identity in eval
    h = gcn_conv(h, src, dst, edge_attr, W_g1, b_g1)
    h = jax.nn.relu(h)
    h = gcn_conv(h, src, dst, edge_attr, W_g2, b_g2)
    h = jax.nn.relu(h @ W_o1 + b_o1) @ W_o2 + b_o2
    t = h[target_species_idx]
    t = jax.nn.relu(t @ W_s1 + b_s1)
    t = jax.nn.relu(t @ W_s2 + b_s2)
    return t @ W_s3 + b_s3

if __name__ == "__main__":
    import jax
    _d = setup_inputs()
    print(jax.jit(kernel)(*tuple(_d.values())))

</pallas_src>

<mosaic_0001>
module attributes {stable_mosaic.version = 14 : i64} {
  func.func @_mlp_body(%arg0: memref<1x256xf32, #tpu.memory_space<vmem>>, %arg1: memref<256x256xf32, #tpu.memory_space<vmem>>, %arg2: memref<256xf32, #tpu.memory_space<vmem>>, %arg3: memref<256x128xf32, #tpu.memory_space<vmem>>, %arg4: memref<128xf32, #tpu.memory_space<vmem>>, %arg5: memref<128x5xf32, #tpu.memory_space<vmem>>, %arg6: memref<5xf32, #tpu.memory_space<vmem>>, %arg7: memref<5xf32, #tpu.memory_space<vmem>>) attributes {dimension_semantics = [], scalar_prefetch = 0 : i64, scratch_operands = 0 : i64, tpu.core_type = #tpu.core_type<tc>} {
    %get3A = arith.constant 0 : index
    %get3A_0 = arith.constant 0 : index
    %get3A_1 = vector.load %arg0[%get3A, %get3A_0] : memref<1x256xf32, #tpu.memory_space<vmem>>, vector<1x256xf32>
    %get3A_2 = arith.constant 0 : index
    %get3A_3 = arith.constant 0 : index
    %get3A_4 = vector.load %arg1[%get3A_2, %get3A_3] : memref<256x256xf32, #tpu.memory_space<vmem>>, vector<256x256xf32>
    %dot_general3A = arith.constant dense<0.000000e+00> : vector<1x256xf32>
    %dot_general3A_5 = tpu.matmul %get3A_1, %get3A_4, %dot_general3A {dimension_numbers = #tpu.dot_dimension_numbers<[1], [0], [0], [1], [0, 0, 1, 1], [], []>, transpose_lhs_hint = false} : vector<1x256xf32>, vector<256x256xf32>, vector<1x256xf32> -> vector<1x256xf32>
    %get3A_6 = arith.constant 0 : index
    %get3A_7 = vector.load %arg2[%get3A_6] : memref<256xf32, #tpu.memory_space<vmem>>, vector<256xf32>
    %broadcast_in_dim3A = vector.shape_cast %get3A_7 : vector<256xf32> to vector<1x256xf32>
    %add3A = arith.addf %dot_general3A_5, %broadcast_in_dim3A : vector<1x256xf32>
    %max3A = arith.constant 0.000000e+00 : f32
    %max3A_8 = vector.broadcast %max3A : f32 to vector<1x256xf32>
    %max3A_9 = arith.maximumf %add3A, %max3A_8 : vector<1x256xf32>
    %get3A_10 = arith.constant 0 : index
    %get3A_11 = arith.constant 0 : index
    %get3A_12 = vector.load %arg3[%get3A_10, %get3A_11] : memref<256x128xf32, #tpu.memory_space<vmem>>, vector<256x128xf32>
    %dot_general3A_13 = arith.constant dense<0.000000e+00> : vector<1x128xf32>
    %dot_general3A_14 = tpu.matmul %max3A_9, %get3A_12, %dot_general3A_13 {dimension_numbers = #tpu.dot_dimension_numbers<[1], [0], [0], [1], [0, 0, 1, 1], [], []>, transpose_lhs_hint = false} : vector<1x256xf32>, vector<256x128xf32>, vector<1x128xf32> -> vector<1x128xf32>
    %get3A_15 = arith.constant 0 : index
    %get3A_16 = vector.load %arg4[%get3A_15] : memref<128xf32, #tpu.memory_space<vmem>>, vector<128xf32>
    %broadcast_in_dim3A_17 = vector.shape_cast %get3A_16 : vector<128xf32> to vector<1x128xf32>
    %add3A_18 = arith.addf %dot_general3A_14, %broadcast_in_dim3A_17 : vector<1x128xf32>
    %max3A_19 = arith.constant 0.000000e+00 : f32
    %max3A_20 = vector.broadcast %max3A_19 : f32 to vector<1x128xf32>
    %max3A_21 = arith.maximumf %add3A_18, %max3A_20 : vector<1x128xf32>
    %get3A_22 = arith.constant 0 : index
    %get3A_23 = arith.constant 0 : index
    %get3A_24 = vector.load %arg5[%get3A_22, %get3A_23] : memref<128x5xf32, #tpu.memory_space<vmem>>, vector<128x5xf32>
    %dot_general3A_25 = arith.constant dense<0.000000e+00> : vector<1x5xf32>
    %dot_general3A_26 = tpu.matmul %max3A_21, %get3A_24, %dot_general3A_25 {dimension_numbers = #tpu.dot_dimension_numbers<[1], [0], [0], [1], [0, 0, 1, 1], [], []>, transpose_lhs_hint = false} : vector<1x128xf32>, vector<128x5xf32>, vector<1x5xf32> -> vector<1x5xf32>
    %get3A_27 = arith.constant 0 : index
    %get3A_28 = vector.load %arg6[%get3A_27] : memref<5xf32, #tpu.memory_space<vmem>>, vector<5xf32>
    %broadcast_in_dim3A_29 = vector.shape_cast %get3A_28 : vector<5xf32> to vector<1x5xf32>
    %add3A_30 = arith.addf %dot_general3A_26, %broadcast_in_dim3A_29 : vector<1x5xf32>
    %squeeze3A = vector.shape_cast %add3A_30 : vector<1x5xf32> to vector<5xf32>
    %swap3A = arith.constant 0 : index
    %swap3A_31 = vector.load %arg7[%swap3A] : memref<5xf32, #tpu.memory_space<vmem>>, vector<5xf32>
    tpu.vector_store %arg7[%swap3A], %squeeze3A {strides = array<i32>} : memref<5xf32, #tpu.memory_space<vmem>>, vector<5xf32>,
    return
  }
}

</mosaic_0001>

<sc_bundles>
// kernel: scatter_offload_async_start.1
scs
__scs_entry_jumppad:
0x0: {  	(pc) =	sbr.rel $0x88, $3  }
0x1: {  	(tag) =	ssettag $0x0;
	lr =	simm.s32 $0x1  }
0x2: {  	[smem:$0x3F8B] =	sst lr;
	_ =	strace $0xD0000000  }
0x3: {  	_ = 	snop  }
0x4: {  	_ = 	snop  }
0x5: {  	_ = 	snop  }
0x6: {  	_ = 	snop  }
0x7: {  	_ = 	snop  }
__scs_overlays_trampoline_lowered:
0x8: {  	[smem:$0x3F9A] =	sst s0  }
0x9: {  	[smem:$0x3F9B] =	sst s1  }
0xa: {  	[smem:$0x3F9C] =	sst s2  }
0xb: {  	[smem:$0x3F9D] =	sst s3  }
0xc: {  	[smem:$0x3F9E] =	sst s4  }
0xd: {  	[smem:$0x3F9F] =	sst s5  }
0xe: {  	[smem:$0x3FA0] =	sst s6  }
0xf: {  	[smem:$0x3FA1] =	sst s7  }
0x10: {  	[smem:$0x3FA2] =	sst s8  }
0x11: {  	[smem:$0x3FA3] =	sst s9;
	s0 =	simm.s32 @!p0 $0x0  }
0x12: {  	s1 =	sld [smem:$0x3F89];
	s0 =	simm.s32 @p0 $0x1  }
0x13: {  	[smem:$0x3FA4] =	sst s0;
	s0 =	simm.s32 @!p1 $0x0  }
0x14: {  	s2 =	sld [smem:$0x3F88];
	s0 =	simm.s32 @p1 $0x1  }
0x15: {  	[smem:$0x3FA5] =	sst s0;
	s0 =	simm.s32 @!p2 $0x0  }
0x16: {  	s3 =	sld [smem:$0x3FDB];
	s0 =	simm.s32 @p2 $0x1  }
0x17: {  	s4 =	simm.s32 $0x1BF5;
	[smem:$0x3FA7] =	sst s0  }
0x18: {  	s0 =	sld [smem:$0x3F8A];
	_ =	swait.ge [sflag:s4], $0x0  }
0x19: {  	s7 =	sld [smem:$0x3F8B]  }
0x1a: {  	s8 =	sadd.s32 $0xFFFFE003, lr  }
0x1b: {  	s9 =	sadd.s32 $0xFFFFFEF7, lr;
	s5 =	simm.s32 $0xFFFFFFFF;
	p2 =	slt.u32 s8, $0xFFFFF086  }
0x1c: {  	p1 =	slt.u32 s9, $0xF7A;
	s5 =	simm.s32 @!p2 $0x0  }
0x1d: {  	s5 =	simm.s32 @p1 $0x1;
	p0 =	seq.s32 s7, s2  }
0x1e: {  	s7 =	smul.u32 @!p0 $0xF7A, s2;
	p2 =	seq.s32 @!p0 s5, $0x0  }
0x1f: {  	s9 =	smul.u32 $0xF7A, s1;
	s8 =	simm.s32 @!p0 $0x1BF5;
	p2 =	por !p2, p0  }
0x20: {  	[sflag:s8] =	ssyncset.s32 @!p0 $0xFFFFF086;
	s6 =	sadd.s32 @!p0 s3, s7;
	s7 =	simm.s32 @!p0 $0x108  }
0x21: {  	s3 =	sadd.s32 s3, s9;
	s6 =	sadd.s32 @!p0 $0x88, s6;
	s7 =	simm.s32 @p2 $0x1082  }
0x22: {  	[simem:s7], [sflag:s8] =	dma.local @!p0 [hbm:s6], $0xF7A  }
0x23: {  	s9 =	sor.u32 $0xD0000000, s2;
	s6 =	simm.s32 $0x108;
	_ =	swait.ge @!p0 [sflag:s8], $0x0  }
0x24: {  	s3 =	sadd.s32 $0x88, s3;
	s6 =	simm.s32 @!p1 $0x1082;
	[sflag:s4] =	ssyncset.s32 $0xFFFFF086  }
0x25: {  	[simem:s6], [sflag:s4] =	dma.local [hbm:s3], $0xF7A  }
0x26: {  	[smem:$0x3F8B] =	sst s1;
	(tag) =	ssettag s2;
	_ =	strace s9  }
0x27: {  	s1 =	sld [smem:$0x3F9B]  }
0x28: {  	s2 =	sld [smem:$0x3F9C]  }
0x29: {  	s4 =	sld [smem:$0x3F9E]  }
0x2a: {  	p0 =	seq.s32 s5, $0x0;
	s5 =	sld [smem:$0x3F9F]  }
0x2b: {  	s6 =	sld [smem:$0x3FA0]  }
0x2c: {  	s7 =	sld [smem:$0x3FA1]  }
0x2d: {  	s3 =	simm.s32 $0x108;
	s8 =	sld [smem:$0x3FA2]  }
0x2e: {  	s3 =	simm.s32 @!p0 $0x1082;
	s9 =	sld [smem:$0x3FA3]  }
0x2f: {  	lr =	sadd.s32 s0, s3;
	s0 =	sld [smem:$0x3F9A]  }
0x30: {  	s3 =	sld [smem:$0x3F9D]  }
0x31: {  	[smem:$0x3FA6] =	sst s10  }
0x32: {  	s10 =	sld [smem:$0x3FA4];
	_ =	sdelay $0x3  }
0x33: {  	p0 =	seq.s32 s10, $0x1;
	s10 =	sld [smem:$0x3FA6];
	_ =	sdelay $0x3  }
0x34: {  	[smem:$0x3FA6] =	sst s10  }
0x35: {  	s10 =	sld [smem:$0x3FA5];
	_ =	sdelay $0x3  }
0x36: {  	p1 =	seq.s32 s10, $0x1;
	s10 =	sld [smem:$0x3FA6];
	_ =	sdelay $0x3  }
0x37: {  	[smem:$0x3FA6] =	sst s10  }
0x38: {  	s10 =	sld [smem:$0x3FA7]  }
0x39: {  	_ = 	snop;
	(pc) =	sbr.ind lr, $3  }
0x3a: {  	_ = 	snop  }
0x3b: {  	_ = 	snop  }
0x3c: {  	p2 =	seq.s32 s10, $0x1;
	s10 =	sld [smem:$0x3FA6]  }
0x3d: {  	_ =	shalt  }
0x3e: {  	_ =	shalt  }
0x3f: {  	_ =	shalt  }
0x40: {  	_ =	shalt  }
0x41: {  	_ =	shalt  }
0x42: {  	_ =	shalt  }
0x43: {  	_ =	shalt  }
0x44: {  	_ =	shalt  }
0x45: {  	_ =	shalt  }
0x46: {  	_ =	shalt  }
0x47: {  	_ =	shalt  }
0x48: {  	_ =	shalt  }
0x49: {  	_ =	shalt  }
0x4a: {  	_ =	shalt  }
0x4b: {  	_ =	shalt  }
0x4c: {  	_ =	shalt  }
0x4d: {  	_ =	shalt  }
0x4e: {  	_ =	shalt  }
0x4f: {  	_ =	shalt  }
0x50: {  	_ =	shalt  }
0x51: {  	_ =	shalt  }
0x52: {  	_ =	shalt  }
0x53: {  	_ =	shalt  }
0x54: {  	_ =	shalt  }
0x55: {  	_ =	shalt  }
0x56: {  	_ =	shalt  }
0x57: {  	_ =	shalt  }
0x58: {  	_ =	shalt  }
0x59: {  	_ =	shalt  }
0x5a: {  	_ =	shalt  }
0x5b: {  	_ =	shalt  }
0x5c: {  	_ =	shalt  }
0x5d: {  	_ =	shalt  }
0x5e: {  	_ =	shalt  }
0x5f: {  	_ =	shalt  }
0x60: {  	_ =	shalt  }
0x61: {  	_ =	shalt  }
0x62: {  	_ =	shalt  }
0x63: {  	_ =	shalt  }
0x64: {  	_ =	shalt  }
0x65: {  	_ =	shalt  }
0x66: {  	_ =	shalt  }
0x67: {  	_ =	shalt  }
0x68: {  	_ =	shalt  }
0x69: {  	_ =	shalt  }
0x6a: {  	_ =	shalt  }
0x6b: {  	_ =	shalt  }
0x6c: {  	_ =	shalt  }
0x6d: {  	_ =	shalt  }
0x6e: {  	_ =	shalt  }
0x6f: {  	_ =	shalt  }
0x70: {  	_ =	shalt  }
0x71: {  	_ =	shalt  }
0x72: {  	_ =	shalt  }
0x73: {  	_ =	shalt  }
0x74: {  	_ =	shalt  }
0x75: {  	_ =	shalt  }
0x76: {  	_ =	shalt  }
0x77: {  	_ =	shalt  }
0x78: {  	_ =	shalt  }
0x79: {  	_ =	shalt  }
0x7a: {  	_ =	shalt  }
0x7b: {  	_ =	shalt  }
0x7c: {  	_ =	shalt  }
0x7d: {  	_ =	shalt  }
0x7e: {  	_ =	shalt  }
0x7f: {  	_ =	shalt  }
0x80: {  	_ =	shalt  }
0x81: {  	_ =	shalt  }
0x82: {  	_ =	shalt  }
0x83: {  	_ =	shalt  }
0x84: {  	_ =	shalt  }
0x85: {  	_ =	shalt  }
0x86: {  	_ =	shalt  }
0x87: {  	_ =	shalt  }
.Lfunc_end0:
.L_simem_size_0:
called_computation.1_lowered:
.L_overlay_start_0:
0x88: {  	s0 =	sld [smem:$0x3FD9]  }
0x89: {  	s1 =	sld [smem:$0x3FFE];
	_ =	sdelay $0x3  }
0x8a: {  	s0 =	sadd.s32 s1, s0  }
0x8b: {  	[smem:$0x3FB2] =	sst s0  }
0x8c: {  	_ = 	snop  }
0x8d: {  	(tm) =	ssettm $0x1  }
0x8e: {  	s15 =	sld [smem:$0x3FFB];
	_ =	sdelay $0x3  }
0x8f: {  	_ =	strace s15  }
0x90: {  	s0 =	sld [smem:$0x3FFC];
	_ =	sdelay $0x3  }
0x91: {  	_ =	strace s0  }
0x92: {  	s0 =	sld [smem:$0x3FFD];
	_ =	sdelay $0x3  }
0x93: {  	_ =	strace s0  }
0x94: {  	_ =	strace $0x8FFFFFFF  }
0x95: {  	s16 =	sld [smem:$0x3FDB];
	_ =	sdelay $0x1  }
0x96: {  	s17 =	simm.s32 $_scs_section_size  }
0x97: {  	s2 =	simm.s32 $_size__tile_overlayer_lowered;
	s3 =	simm.s32 $_tile_overlayer_lowered  }
0x98: {  	s20 =	simm.s32 $0x1BFF;
	s19 =	sshll.u32 s3, $0x1;
	s0 =	sadd.s32 s17, s16  }
0x99: {  	s4 =	simm.s32 $0x0;
	s18 =	sshll.u32 s2, $0x1;
	s2 =	sadd.s32 s19, s0  }
0x9a: {  	[timem:s4], [sflag:s20] =	dma.local [hbm:s2], s18  }
0x9b: {  	_ =	swait.ge [sflag:s20], s18  }
0x9c: {  	s1 =	ssub.s32 $0x0, s18;
	[sflag:s20] =	ssyncset.done $0x0  }
0x9d: {  	[sflag:s20] =	ssyncadd.s32 s1;
	_ =	sdelay $0x1  }
0x9e: {  	s21 =	simm.s32 $0x1B8B  }
0x9f: {  	_ =	swait.ge [sflag:s21], $0x1  }
0xa0: {  	[sflag:s21] =	ssyncset.done $0x0  }
0xa1: {  	s23 =	simm.s32 $0x1B8E;
	s22 =	sld [smem:$0x3FFE];
	[sflag:s21] =	ssyncadd.s32 $0xFFFFFFFF  }
0xa2: {  	s24 =	simm.s32 $execute0_lowered;
	[smem:$0x3FD2] =	sst s23  }
0xa3: {  	s2 =	sshll.u32 s24, $0x1;
	_ =	strace $0x80000049;
	[dreg:$0x1] =	wrdreg $0xFFFFFFFF  }
0xa4: {  	s25 =	simm.s32 $_size_execute0_lowered;
	s0 =	sadd.s32 s0, s2;
	[dreg:$0x0] =	wrdreg $0x0  }
0xa5: {  	s2 =	sshll.u32 s25, $0x1;
	[dreg:$0x2] =	wrdreg s0  }
0xa6: {  	[dreg:$0x3] =	wrdreg s2  }
0xa7: {  	[dreg:$0x4] =	wrdreg $0xC0  }
0xa8: {  	_ =	task [dreg:s4], $0x5FFFF  }
0xa9: {  	[dreg:$0x1] =	wrdreg $0xFFFFFFFF  }
0xaa: {  	[dreg:$0x0] =	wrdreg $0x60  }
0xab: {  	[dreg:$0x2] =	wrdreg s22  }
0xac: {  	[dreg:$0x3] =	wrdreg $0x9  }
0xad: {  	_ =	task.clear_ibuf [dreg:s4], $0x4FFFF;
	_ =	strace $0x90000049  }
0xae: {  	s26 =	simm.s32 $0x9;
	_ =	strace $0x8000004B  }
0xaf: {  	_ =	swait.ge [sflag:s26], $0x1  }
0xb0: {  	[sflag:s26] =	ssyncadd.s32 $0xFFFFFFFF  }
0xb1: {  	_ =	strace $0x9000004B  }
0xb2: {  	_ =	sfence  }
0xb3: {  	s28 =	sld [smem:$0x0];
	_ =	sdelay $0x1  }
0xb4: {  	s29 =	srdreg.scid  }
0xb5: {  	s30 =	sshll.u32 s29, $0xD;
	s31 =	sshrl.u32 s29, $0x2  }
0xb6: {  	s1 =	sand.u32 $0x1, s29;
	s2 =	sand.u32 $0x4000, s30;
	s0 =	sadd.s32 s31, s28  }
0xb7: {  	s1 =	sor.u32 s2, s1;
	s0 =	sshll.u32 s0, $0x11  }
0xb8: {  	s0 =	sor.u32 s0, s1  }
0xb9: {  	s0 =	sadd.s32 $0x8F2B, s0  }
0xba: {  	[sflag:s0] =	ssyncadd.remote.s32 $0x1  }
0xbb: {  	_ =	sfence.sel $0xFFFF  }
0xbc: {  	[dreg:$0x0] =	wrdreg $0xFFFFFFFF;
	(pc) =	sbr.abs _section_cstart, $3  }
0xbd: {  	[dreg:$0x1] =	wrdreg $0xFFFFFFFF  }
0xbe: {  	_ =	task.clear_ibuf [dreg:s4], $0x2FFFF;
	_ =	strace $0x9FFFFFFF  }
0xbf: {  	(tm) =	ssettm $0x7FFFFFFF  }
tec
execute0_lowered:
.L_overlay_start_1:
0x0: {  	(tag) =	ssettag $0x1  }
0x1: {  	s0 =	rddreg [dreg:$0x0];
	_ =	strace $0x8000004A;
	s1 =	simm.s32 $0x1  }
0x2: {  	s8 =	simm.s32 $0x108;
	v0 =	vimm.s32 $0x0;
	[sflag:s1] =	ssyncpa.u1 $0x0  }
0x3: {  	[tilespmem:s8+$0x70] =	vst v0  }
0x4: {  	[tilespmem:s8+$0x60] =	vst v0  }
0x5: {  	[tilespmem:s8+$0x50] =	vst v0  }
0x6: {  	[tilespmem:s8+$0x40] =	vst v0  }
0x7: {  	[tilespmem:s8+$0x30] =	vst v0  }
0x8: {  	s2 =	simm.s32 $0x40;
	s1 =	sadd.s32 $0x9DA00, s0;
	[tilespmem:s8+$0x20] =	vst v0  }
0x9: {  	s3 =	sadd.s32 $0x69A00, s0;
	s4 =	sadd.s32 $0x162A00, s0;
	s5 =	sadd.s32 $0x83A00, s0;
	[tilespmem:s8+$0x10] =	vst v0  }
.LBB2_1:
0xa: {  	s2 =	sadd.s32 $0x40, s2;
	[tilespmem:s8+$0x0] =	vst v0;
	s8 =	sadd.s32 $0x80, s8  }
0xb: {  	p0 =	slt.u32 s2, $0x3C40;
	[tilespmem:s8+$0x70] =	vst v0  }
0xc: {  	[tilespmem:s8+$0x60] =	vst v0  }
.Ltmp0:
0xd: {  	[tilespmem:s8+$0x50] =	vst v0;
	(pc) =	sbr.rel @p0 .LBB2_1-.Ltmp0, $4  }
0xe: {  	[tilespmem:s8+$0x40] =	vst v0  }
0xf: {  	[tilespmem:s8+$0x30] =	vst v0  }
0x10: {  	[tilespmem:s8+$0x20] =	vst v0  }
0x11: {  	[tilespmem:s8+$0x10] =	vst v0  }
0x12: {  	s13 =	stileid.u32  }
0x13: {  	s0 =	smul.u32 $0xDD, s13  }
0x14: {  	s2 =	smin.u32 s13, $0x6  }
0x15: {  	s0 =	sadd.s32 s2, s0  }
0x16: {  	p0 =	slt.u32 s13, $0x6;
	s6 =	smul.u32 $0xF0, s0;
	s0 =	simm.s32 $0xD020  }
0x17: {  	s0 =	simm.s32 @!p0 $0xCF30  }
0x18: {  	s0 =	sadd.s32 s0, s6  }
0x19: {  	s7 =	smin.u32 s0, $0xCF850  }
0x1a: {  	s0 =	ssub.s32 s7, s6  }
0x1b: {  	p0 =	sgt.s32 s0, $0x0  }
0x1c: {  	s0 =	simm.s32 @!p0 $0x0  }
0x1d: {  	s31 =	smulhi.u32 $0x88888889, s0  }
0x1e: {  	s30 =	simm.s32 $0x2;
	s9 =	simm.s32 $0x7;
	s10 =	simm.s32 $0x8  }
0x1f: {  	s19 =	simm.s32 $0x0;
	s15 =	simm.s32 $0xA;
	s2 =	sshrl.u32 s31, $0x7  }
0x20: {  	s17 =	simm.s32 $0x0;
	s18 =	simm.s32 $0x0;
	s11 =	smul.u32 $0xF0, s2  }
.Ltmp1:
0x21: {  	[tilespmem:s8+$0x0] =	vst v0;
	v0 =	vimm.s32 $0xFFFFFFFF;
	[sflag:s30] =	ssyncpa.u1 $0x0;
	s13 =	sshll.u32 s13, $0x8;
	(pc) =	sbr.rel .LBB2_3-.Ltmp1, $4  }
0x22: {  	[tilespmem:$0xF208] =	vst v0;
	[sflag:s9] =	ssyncpa.u1 $0x0;
	p0 =	sne.s32 s0, s11;
	s0 =	simm.s32 $0x1  }
0x23: {  	[sflag:s10] =	ssyncpa.u1 $0x0;
	s10 =	simm.s32 $0x9;
	s0 =	simm.s32 @!p0 $0x0  }
0x24: {  	[sflag:s10] =	ssyncpa.u1 $0x0;
	s16 =	smov.u32 s6;
	s12 =	sadd.s32 s0, s2  }
0x25: {  	v0 =	vlaneseq.u32;
	s11 =	simm.s32 $0x1;
	p0 =	por $0x0, $0x0;
	s14 =	sadd.s32 $0x1, s12  }
.LBB2_18:
0x26: {  	s0 =	sshrl.u32 s28, $0x2  }
.LBB2_20:
0x27: {  	_ =	swait.ge [sflag:s15], s0  }
0x28: {  	s31 =	ssub.s32 $0x0, s0;
	v1 =	vmov s21;
	vm0 =	veq.s32 v0, $0x0;
	[sflag:s15] =	ssyncset.done $0x0  }
0x29: {  	vm15 =	veq.s32 v0, $0x2;
	v1 =	vsel vm0, s26, v1;
	[sflag:s15] =	ssyncadd.s32 s31  }
0x2a: {  	v1 =	vsel vm15, s19, v1;
	[sflag:s15] =	ssyncpa.u1 $0x1  }
0x2b: {  	[tilespmem:$0xF208] =	vst v1  }
.LBB2_21:
0x2c: {  	s0 =	sadd.s32 $0xF0, s16  }
0x2d: {  	s2 =	smov.u32 s6;
	p1 =	slt.s32 s0, s7  }
0x2e: {  	s2 =	smov.u32 @p1 s0;
	p1 =	sne.s32 s18, s14  }
.Ltmp2:
0x2f: {  	_ = 	snop;
	(pc) =	sbr.rel @!p1 .LBB2_22-.Ltmp2, $3  }
0x30: {  	_ =	sdelay $0x1  }
0x31: {  	s19 =	smov.u32 s17;
	s31 =	sadd.s32 $0x1, s18;
	s17 =	smov.u32 s16  }
0x32: {  	p0 =	por !p0, !p0;
	s18 =	smov.u32 s31;
	s16 =	smov.u32 s2  }
.LBB2_3:
0x33: {  	p1 =	sge.u32 s18, s12  }
0x34: {  	s0 =	smulhi.u32 @!p1 $0xAAAAAAAB, s18  }
0x35: {  	s2 =	smov.u32 s16;
	p2 =	sgt.s32 @!p1 s16, $0xCF760  }
0x36: {  	s20 =	sshra.s32 @!p1 s16, $0x1F;
	p2 =	por !p2, p1;
	s0 =	sshrl.u32 @!p1 s0, $0x1  }
0x37: {  	s20 =	sand.u32 @!p1 s20, s16;
	s2 =	simm.s32 @p2 $0xCF760;
	s0 =	smul.u32 @!p1 $0x3, s0  }
0x38: {  	s2 =	ssub.s32 @!p1 s2, s20  }
0x39: {  	s2 =	sadd.s32 @!p1 $0xFFF308A0, s2;
	s0 =	ssub.s32 @!p1 s18, s0  }
0x3a: {  	s20 =	sshll.u32 @!p1 s2, $0x2;
	p2 =	sgt.s32 @!p1 s2, $0xEF;
	s0 =	smul.u32 @!p1 $0x3C0, s0  }
0x3b: {  	s21 =	sand.u32 @!p1 $0x7, s16;
	s2 =	ssub.s32 @!p1 $0x3C0, s20;
	p2 =	por !p2, p1  }
0x3c: {  	s20 =	sshrl.u32 @!p1 s16, $0x3;
	s2 =	sshrl.u32 @!p1 s2, $0x2;
	s0 =	sshrl.u32 @!p1 s0, $0x2  }
0x3d: {  	s20 =	sadd.s32 @!p1 s5, s20;
	s2 =	simm.s32 @!p2 $0x0;
	s0 =	sadd.s32 @!p1 $0x10238, s0  }
0x3e: {  	[tilespmem:s0], [sflag:$0x8] =	stream.linear.gather @!p1 [hbm4b:s20+s21], s2, $0x38;
	[tilespmem:$0x1F6E8] =	vst v63  }
0x3f: {  	s0 =	sadd.s32 $0xFFFFFFFF, s18  }
0x40: {  	p1 =	sge.u32 s0, s12  }
0x41: {  	p2 =	sgt.s32 @!p1 s17, $0xCF760  }
0x42: {  	s2 =	smov.u32 s17;
	s20 =	sshra.s32 @!p1 s17, $0x1F;
	p2 =	por !p2, p1  }
0x43: {  	s20 =	sand.u32 @!p1 s20, s17;
	s2 =	simm.s32 @p2 $0xCF760  }
0x44: {  	s2 =	ssub.s32 @!p1 s2, s20  }
0x45: {  	s2 =	sadd.s32 @!p1 $0xFFF308A0, s2  }
0x46: {  	s21 =	sand.u32 @!p1 $0x1, s0;
	s20 =	sshll.u32 @!p1 s2, $0x2  }
0x47: {  	p2 =	sgt.s32 @!p1 s2, $0xEF;
	s2 =	ssub.s32 @!p1 $0x3C0, s20;
	s20 =	smulhi.u32 @!p1 $0xAAAAAAAB, s0  }
0x48: {  	s23 =	smul.u32 @!p1 $0x3C0, s21;
	p2 =	por !p2, p1;
	s2 =	sshrl.u32 @!p1 s2, $0x2  }
0x49: {  	s22 =	simm.s32 @!p1 $0x8;
	s2 =	simm.s32 @!p2 $0x0;
	s20 =	sshrl.u32 @!p1 s20, $0x1  }
0x4a: {  	s23 =	sshrl.u32 @!p1 s23, $0x2;
	_ =	swait.ge @!p1 [sflag:s22], s2;
	s20 =	smul.u32 @!p1 $0x3, s20  }
0x4b: {  	s23 =	sor.u32 @!p1 $0x10508, s23;
	s24 =	ssub.s32 @!p1 $0x0, s2;
	[sflag:s22] =	ssyncset.done @!p1 $0x0  }
0x4c: {  	[sflag:s22] =	ssyncadd.s32 @!p1 s24;
	s22 =	sshrl.u32 @!p1 s17, $0x3;
	s0 =	ssub.s32 @!p1 s0, s20  }
0x4d: {  	s24 =	sand.u32 @!p1 $0x7, s17;
	s22 =	sadd.s32 @!p1 s3, s22;
	s0 =	smul.u32 @!p1 $0x3C0, s0  }
0x4e: {  	[tilespmem:s23], [sflag:$0x9] =	stream.linear.gather @!p1 [hbm4b:s22+s24], s2, $0x38;
	[tilespmem:$0x1F6E8] =	vst v63  }
0x4f: {  	s20 =	ssub.s32 @!p1 $0xCF850, s17;
	s2 =	smul.u32 @!p1 $0x1E000, s21  }
0x50: {  	p2 =	slt.s32 @!p1 s20, $0xF0  }
0x51: {  	p2 =	por !p2, p1;
	s0 =	sshrl.u32 @!p1 s0, $0x2;
	s2 =	sshrl.u32 @!p1 s2, $0x2  }
0x52: {  	s20 =	simm.s32 @p2 $0xF0;
	s0 =	sadd.s32 @!p1 $0x10238, s0;
	s2 =	sor.u32 @!p1 $0x106E8, s2  }
0x53: {  	[tilespmem:s2], [sflag:$0x7] =	stream.indirect.gather @!p1 [hbm4b:s4+s20], $0x80, s0, s20, $0xb8;
	[tilespmem:$0x1F6E8] =	vst v63  }
0x54: {  	p1 =	slt.u32 s18, $0x2  }
.Ltmp3:
0x55: {  	_ = 	snop;
	(pc) =	sbr.rel @p1 .LBB2_21-.Ltmp3, $1  }
0x56: {  	_ =	sdelay $0x3  }
0x57: {  	p1 =	sgt.s32 s19, $0xCF760;
	s0 =	smov.u32 s19  }
0x58: {  	s2 =	sshra.s32 s19, $0x1F;
	s20 =	ssub.s32 $0xCF850, s19;
	s0 =	simm.s32 @!p1 $0xCF760  }
0x59: {  	s2 =	sand.u32 s2, s19;
	p1 =	slt.s32 s20, $0xF0;
	s21 =	smov.u32 s20  }
0x5a: {  	s0 =	ssub.s32 s0, s2;
	s21 =	simm.s32 @!p1 $0xF0  }
0x5b: {  	s0 =	sadd.s32 $0xFFF308A0, s0;
	s28 =	sshll.u32 s21, $0x7  }
0x5c: {  	s29 =	sshll.u32 s0, $0x2;
	s2 =	sand.u32 $0x3FFFFF80, s28  }
0x5d: {  	p1 =	sgt.s32 s0, $0xEF;
	s30 =	ssub.s32 $0x3C0, s29;
	_ =	swait.ge [sflag:s9], s2  }
0x5e: {  	s2 =	ssub.s32 $0x0, s2;
	[sflag:s9] =	ssyncset.done $0x0;
	s0 =	sshrl.u32 s30, $0x2  }
0x5f: {  	[sflag:s9] =	ssyncadd.s32 s2;
	s0 =	simm.s32 @p1 $0x0  }
0x60: {  	_ =	swait.ge [sflag:s10], s0  }
0x61: {  	s0 =	ssub.s32 $0x0, s0;
	[sflag:s10] =	ssyncset.done $0x0  }
0x62: {  	[sflag:s10] =	ssyncadd.s32 s0  }
0x63: {  	v1 =	vld [tilespmem:$0xF208];
	_ =	sdelay $0x4  }
0x64: {  	(v2sf) =	vpush v1, $0x0  }
0x65: {  	(v2sf) =	vpush v1, $0x1  }
0x66: {  	(v2sf) =	vpush v1, $0x2;
	_ =	sdelay $0x3  }
0x67: {  	s0 =	sadd.s32 $0xF0, s19  }
0x68: {  	p1 =	slt.s32 s7, s0  }
0x69: {  	s0 =	smov.u32 @p1 s7;
	p1 =	sgt.s32 s20, $0x0  }
0x6a: {  	s23 =	ssub.s32 s0, s19;
	s20 =	simm.s32 @!p1 $0x0  }
0x6b: {  	p1 =	slt.s32 s20, s23  }
0x6c: {  	s23 =	smov.u32 @p1 s20  }
0x6d: {  	s22 =	simm.s32 $0x1;
	p1 =	slt.s32 s23, $0x1  }
.Ltmp4:
0x6e: {  	s22 =	simm.s32 @!p0 $0x0;
	(pc) =	sbr.rel @p1 .LBB2_8-.Ltmp4, $4  }
0x6f: {  	s31 =	smul.u32 $0x3C0, s22  }
0x70: {  	s24 =	spop (v2sf)  }
0x71: {  	s0 =	sshrl.u32 s31, $0x2;
	s26 =	spop (v2sf)  }
0x72: {  	s20 =	sor.u32 $0x10508, s0;
	s19 =	spop (v2sf)  }
0x73: {  	s0 =	smin.u32 s23, $0x10  }
0x74: {  	v1 =	vmov s0  }
0x75: {  	p2 =	sgt.s32 s23, $0x10;
	vm1 =	vgt.u32 v1, v0  }
.Ltmp5:
0x76: {  	_ = 	snop;
	(pc) =	sbr.rel @!p2 .LBB2_7-.Ltmp5, $2  }
0x77: {  	_ =	sdelay $0x2  }
0x78: {  	s25 =	simm.s32 $0x10;
	s28 =	sadd.s32 $0xFFFFFFF0, s23;
	s21 =	smov.u32 s20;
	vm0 =	vmmov vm1  }
.LBB2_6:
0x79: {  	s0 =	smin.u32 s28, $0x10;
	s25 =	sadd.s32 $0x10, s25;
	v1 =	vld.msk [tilespmem:s21+$0x0 ss:$0x1], vm1  }
0x7a: {  	v2 =	vmov s0;
	p2 =	slt.s32 s25, s23  }
0x7b: {  	vm1 =	vgt.u32 v2, v0  }
.Ltmp6:
0x7c: {  	(pc) =	sbr.rel @p2 .LBB2_6-.Ltmp6, $3  }
0x7d: {  	_ =	sdelay $0x1  }
0x7e: {  	v1 =	vshll.u32 v1, $0x4  }
0x7f: {  	s28 =	sadd.s32 $0xFFFFFFF0, s28;
	[tilespmem:s21+$0x0] =	vst.msk vm0, v1;
	s21 =	sadd.s32 $0x10, s21;
	vm0 =	vmmov vm1  }
.LBB2_7:
0x80: {  	_ =	sdelay $0x4  }
0x81: {  	v1 =	vld.msk [tilespmem:s21+$0x0 ss:$0x1], vm1;
	_ =	sdelay $0x4  }
0x82: {  	v1 =	vshll.u32 v1, $0x4  }
0x83: {  	[tilespmem:s21+$0x0] =	vst.msk vm0, v1  }
.LBB2_8:
0x84: {  	s0 =	sand.u32 $0x1, s18  }
0x85: {  	s0 =	smul.u32 $0xF0, s0  }
0x86: {  	p2 =	sne.s32 s26, $0xFFFFFFFF  }
0x87: {  	v1 =	vld.msk @!p2 [tilespmem:s0+$0x10508], $0x1;
	_ =	sdelay $0x4  }
0x88: {  	(v2sf) =	vpush @!p2 v1, $0x0;
	_ =	sdelay $0xc  }
.Ltmp7:
0x89: {  	_ = 	snop;
	(pc) =	sbr.rel @p1 .LBB2_19-.Ltmp7, $4  }
0x8a: {  	_ = 	snop  }
0x8b: {  	s25 =	spop @!p2 (v2sf)  }
0x8c: {  	s19 =	simm.s32 @!p2 $0x0;
	s21 =	smov.u32 s25  }
0x8d: {  	[sflag:s15] =	ssyncpa.u1 $0x0;
	s25 =	smov.u32 @p2 s24;
	s21 =	smov.u32 @p2 s26  }
0x8e: {  	v1 =	vld.msk [tilespmem:s20+$0x0], $0x1;
	_ =	sdelay $0x4  }
0x8f: {  	(v2sf) =	vpush v1, $0x0;
	_ =	sdelay $0xe  }
0x90: {  	s0 =	smul.u32 $0x1E000, s22;
	s29 =	spop (v2sf)  }
0x91: {  	s23 =	ssub.s32 $0x0, s23;
	p1 =	seq.s32 s25, s29  }
0x92: {  	s26 =	sadd.s32 $0x1, s23;
	s0 =	sshrl.u32 s0, $0x2;
	p2 =	sgt.s32 @!p1 s25, $0x0  }
0x93: {  	s22 =	sor.u32 $0x10728, s0;
	s0 =	smov.u32 s25;
	p2 =	por !p2, p1  }
0x94: {  	s0 =	simm.s32 @p2 $0x0;
	p2 =	seq.s32 s26, $0x0  }
.Ltmp8:
0x95: {  	_ = 	snop;
	(pc) =	sbr.rel @p2 .LBB2_11-.Ltmp8, $4  }
0x96: {  	_ = 	snop  }
0x97: {  	s24 =	simm.s32 $0x0;
	s28 =	sadd.s32 $0x1, s20;
	s0 =	smin.u32 @!p1 s0, $0xC34F0  }
0x98: {  	s30 =	simm.s32 @!p1 $0x1;
	s31 =	simm.s32 @!p1 $0x7988;
	s2 =	sand.u32 @!p1 $0xFFFF8, s0  }
0x99: {  	s30 =	smov.u32 @p1 s24;
	s0 =	sand.u32 @!p1 $0x7, s0;
	s2 =	sadd.s32 @!p1 s1, s2  }
.LBB2_10:
0x9a: {  	s8 =	smov.u32 s30  }
0x9b: {  	[tilespmem:s31], [sflag:$0x2] =	stream.linear.gather @!p1 [hbm4b:s2+s0], $0x80, $0x38;
	[tilespmem:$0x1F6E8] =	vst v63  }
0x9c: {  	s26 =	sadd.s32 $0x1, s26;
	s0 =	smov.u32 s29;
	v1 =	vld.msk [tilespmem:s28+$0x0], $0x1  }
0x9d: {  	p2 =	seq.s32 s26, $0x0;
	_ =	sdelay $0x3  }
0x9e: {  	(v2sf) =	vpush v1, $0x0;
	_ =	sdelay $0xe  }
0x9f: {  	s29 =	spop (v2sf)  }
0xa0: {  	p1 =	seq.s32 s0, s29  }
0xa1: {  	p3 =	sgt.s32 @!p1 s0, $0x0;
	s2 =	sshll.u32 @!p1 s30, $0x9;
	s30 =	sadd.s32 @!p1 $0x1, s30  }
.Ltmp9:
0xa2: {  	p3 =	por !p3, p1;
	s2 =	sshra.s32 @!p1 s2, $0x2;
	(pc) =	sbr.rel @!p2 .LBB2_10-.Ltmp9, $4  }
0xa3: {  	s30 =	smov.u32 @p1 s8;
	s0 =	simm.s32 @p3 $0x0;
	s31 =	sadd.s32 @!p1 $0x7988, s2  }
0xa4: {  	s0 =	smin.u32 @!p1 s0, $0xC34F0  }
0xa5: {  	s2 =	sand.u32 @!p1 $0xFFFF8, s0;
	s0 =	sand.u32 @!p1 $0x7, s0  }
0xa6: {  	s28 =	sadd.s32 $0x1, s28;
	s2 =	sadd.s32 @!p1 s1, s2  }
.LBB2_11:
0xa7: {  	[tilespmem:s31], [sflag:$0x2] =	stream.linear.gather @!p1 [hbm4b:s2+s0], $0x80, $0x38;
	[tilespmem:$0x1F6E8] =	vst v63  }
.Ltmp10:
0xa8: {  	s30 =	sshll.u32 s30, $0x7;
	(pc) =	sbr.rel .LBB2_12-.Ltmp10, $4  }
0xa9: {  	s31 =	simm.s32 $0x2;
	s0 =	sand.u32 $0x3FFFFF80, s30  }
0xaa: {  	_ =	swait.ge [sflag:s31], s0  }
0xab: {  	s0 =	ssub.s32 $0x0, s0;
	[sflag:s31] =	ssyncset.done $0x0  }
0xac: {  	s28 =	simm.s32 $0x0;
	[sflag:s31] =	ssyncadd.s32 s0  }
.LBB2_13:
0xad: {  	v1 =	vld [tilespmem:s22+$0xFFFFFFC0];
	_ =	sdelay $0x3  }
0xae: {  	s0 =	sshra.s32 s0, $0x2  }
0xaf: {  	[tilespmem:s0+$0x108] =	vst.add.f32.msk $0xffff, v1  }
0xb0: {  	v1 =	vld [tilespmem:s22+$0xFFFFFFD0];
	_ =	sdelay $0x4  }
0xb1: {  	[tilespmem:s0+$0x118] =	vst.add.f32.msk $0xffff, v1  }
0xb2: {  	v1 =	vld [tilespmem:s22+$0xFFFFFFE0];
	_ =	sdelay $0x4  }
0xb3: {  	[tilespmem:s0+$0x128] =	vst.add.f32.msk $0xffff, v1  }
0xb4: {  	v1 =	vld [tilespmem:s22+$0xFFFFFFF0];
	_ =	sdelay $0x4  }
0xb5: {  	[tilespmem:s0+$0x138] =	vst.add.f32.msk $0xffff, v1  }
0xb6: {  	v1 =	vld [tilespmem:s22+$0x0];
	_ =	sdelay $0x4  }
0xb7: {  	[tilespmem:s0+$0x148] =	vst.add.f32.msk $0xffff, v1  }
0xb8: {  	v1 =	vld [tilespmem:s22+$0x10];
	_ =	sdelay $0x4  }
0xb9: {  	[tilespmem:s0+$0x158] =	vst.add.f32.msk $0xffff, v1  }
0xba: {  	v1 =	vld [tilespmem:s22+$0x20];
	_ =	sdelay $0x4  }
0xbb: {  	[tilespmem:s0+$0x168] =	vst.add.f32.msk $0xffff, v1  }
0xbc: {  	v1 =	vld [tilespmem:s22+$0x30];
	_ =	sdelay $0x4  }
0xbd: {  	[tilespmem:s0+$0x178] =	vst.add.f32.msk $0xffff, v1  }
.LBB2_17:
0xbe: {  	s23 =	sadd.s32 $0x1, s23  }
0xbf: {  	p1 =	seq.s32 s23, $0x0  }
.Ltmp11:
0xc0: {  	_ = 	snop;
	(pc) =	sbr.rel @p1 .LBB2_18-.Ltmp11, $2  }
0xc1: {  	_ =	sdelay $0x2  }
0xc2: {  	s20 =	sadd.s32 $0x1, s20;
	s22 =	sadd.s32 $0x80, s22;
	s25 =	smov.u32 s26  }
.LBB2_12:
0xc3: {  	v1 =	vld.msk [tilespmem:s20+$0x0], $0x1;
	_ =	sdelay $0x4  }
0xc4: {  	(v2sf) =	vpush v1, $0x0;
	_ =	sdelay $0xe  }
0xc5: {  	s26 =	spop (v2sf)  }
0xc6: {  	p1 =	sne.s32 s25, s26  }
.Ltmp12:
0xc7: {  	_ = 	snop;
	(pc) =	sbr.rel @!p1 .LBB2_13-.Ltmp12, $2  }
0xc8: {  	_ =	sdelay $0x2  }
0xc9: {  	s0 =	sshll.u32 s19, $0x9  }
0xca: {  	p1 =	seq.s32 s25, s21  }
.Ltmp13:
0xcb: {  	_ = 	snop;
	(pc) =	sbr.rel @!p1 .LBB2_15-.Ltmp13, $1  }
0xcc: {  	_ =	sdelay $0x3  }
0xcd: {  	s0 =	sshra.s32 s0, $0x2  }
.Ltmp14:
0xce: {  	s0 =	sadd.s32 $0x108, s0;
	(pc) =	sbr.rel .LBB2_16-.Ltmp14, $4  }
0xcf: {  	[spmem:s13] =	stream.linear.scatter [tilespmem:s0], [sflag:$0x1], $0x80, $0x38;
	[tilespmem:$0x1F6E8] =	vst v63  }
0xd0: {  	_ =	swait.ge [sflag:s11], $0x80  }
0xd1: {  	[sflag:s11] =	ssyncset.done $0x0  }
0xd2: {  	[sflag:s11] =	ssyncadd.s32 $0xFFFFFF80  }
.LBB2_15:
0xd3: {  	s2 =	sshll.u32 s24, $0x9  }
0xd4: {  	s2 =	sshra.s32 s2, $0x2  }
0xd5: {  	v1 =	vld [tilespmem:s2+$0x7988];
	_ =	sdelay $0x3  }
0xd6: {  	s0 =	sshra.s32 s0, $0x2  }
0xd7: {  	[tilespmem:s0+$0x108] =	vst.add.f32.msk $0xffff, v1  }
0xd8: {  	v1 =	vld [tilespmem:s2+$0x7998];
	_ =	sdelay $0x4  }
0xd9: {  	[tilespmem:s0+$0x118] =	vst.add.f32.msk $0xffff, v1  }
0xda: {  	v1 =	vld [tilespmem:s2+$0x79A8];
	_ =	sdelay $0x4  }
0xdb: {  	[tilespmem:s0+$0x128] =	vst.add.f32.msk $0xffff, v1  }
0xdc: {  	v1 =	vld [tilespmem:s2+$0x79B8];
	_ =	sdelay $0x4  }
0xdd: {  	[tilespmem:s0+$0x138] =	vst.add.f32.msk $0xffff, v1  }
0xde: {  	v1 =	vld [tilespmem:s2+$0x79C8];
	_ =	sdelay $0x4  }
0xdf: {  	[tilespmem:s0+$0x148] =	vst.add.f32.msk $0xffff, v1  }
0xe0: {  	v1 =	vld [tilespmem:s2+$0x79D8];
	_ =	sdelay $0x4  }
0xe1: {  	[tilespmem:s0+$0x158] =	vst.add.f32.msk $0xffff, v1  }
0xe2: {  	v1 =	vld [tilespmem:s2+$0x79E8];
	_ =	sdelay $0x4  }
0xe3: {  	[tilespmem:s0+$0x168] =	vst.add.f32.msk $0xffff, v1  }
0xe4: {  	v1 =	vld [tilespmem:s2+$0x79F8];
	_ =	sdelay $0x2  }
0xe5: {  	p1 =	sgt.u32 s25, $0xC34F0  }
0xe6: {  	s2 =	sand.u32 @!p1 $0xFFFF8, s25  }
0xe7: {  	s8 =	sadd.s32 $0x108, s0;
	[tilespmem:s0+$0x178] =	vst.add.f32.msk $0xffff, v1;
	s0 =	sadd.s32 @!p1 s1, s2;
	s2 =	sand.u32 @!p1 $0x7, s25  }
0xe8: {  	[hbm4b:s0+s2] =	stream.linear.scatter @!p1 [tilespmem:s8], [sflag:$0xA], $0x80, $0x38;
	[tilespmem:$0x1F6E8] =	vst v63  }
0xe9: {  	s0 =	simm.s32 $0x0  }
0xea: {  	s0 =	simm.s32 @!p1 $0x200  }
0xeb: {  	s28 =	sadd.s32 s0, s28  }
.LBB2_16:
0xec: {  	s0 =	sadd.s32 $0x1, s19  }
0xed: {  	s2 =	smulhi.u32 $0x88888889, s0;
	_ =	sdelay $0x1  }
0xee: {  	v1 =	vld [tilespmem:s22+$0xFFFFFFC0];
	s2 =	sshrl.u32 s2, $0x7  }
0xef: {  	s2 =	smul.u32 $0xF0, s2;
	_ =	sdelay $0x1  }
0xf0: {  	s19 =	ssub.s32 s0, s2  }
0xf1: {  	s0 =	sshll.u32 s19, $0x7  }
0xf2: {  	[tilespmem:s0+$0x108] =	vst v1  }
0xf3: {  	v1 =	vld [tilespmem:s22+$0xFFFFFFD0];
	_ =	sdelay $0x4  }
0xf4: {  	[tilespmem:s0+$0x118] =	vst v1  }
0xf5: {  	v1 =	vld [tilespmem:s22+$0xFFFFFFE0];
	_ =	sdelay $0x4  }
0xf6: {  	[tilespmem:s0+$0x128] =	vst v1  }
0xf7: {  	v1 =	vld [tilespmem:s22+$0xFFFFFFF0];
	_ =	sdelay $0x4  }
0xf8: {  	[tilespmem:s0+$0x138] =	vst v1  }
0xf9: {  	v1 =	vld [tilespmem:s22+$0x0];
	_ =	sdelay $0x4  }
0xfa: {  	[tilespmem:s0+$0x148] =	vst v1  }
0xfb: {  	v1 =	vld [tilespmem:s22+$0x10];
	_ =	sdelay $0x4  }
0xfc: {  	[tilespmem:s0+$0x158] =	vst v1  }
0xfd: {  	v1 =	vld [tilespmem:s22+$0x20];
	_ =	sdelay $0x4  }
0xfe: {  	[tilespmem:s0+$0x168] =	vst v1  }
0xff: {  	v1 =	vld [tilespmem:s22+$0x30]  }
.Ltmp15:
0x100: {  	_ = 	snop;
	(pc) =	sbr.rel .LBB2_17-.Ltmp15, $2  }
0x101: {  	_ =	sdelay $0x2  }
0x102: {  	s24 =	sadd.s32 $0x1, s24;
	[tilespmem:s0+$0x178] =	vst v1  }
.LBB2_19:
.Ltmp16:
0x103: {  	(pc) =	sbr.rel .LBB2_20-.Ltmp16, $4  }
0x104: {  	_ = 	snop  }
0x105: {  	s0 =	simm.s32 $0x2  }
0x106: {  	_ =	swait.ge [sflag:s0], $0x0  }
0x107: {  	s26 =	smov.u32 s25;
	[sflag:s0] =	ssyncset.done $0x0;
	s0 =	simm.s32 $0x0  }
.LBB2_22:
0x108: {  	_ =	sfence.sel $0x180000  }
0x109: {  	s0 =	simm.s32 $0x7;
	[bflag:$0x0] =	sbarrier.arrive $0xFFFF  }
0x10a: {  	s25 =	simm.s32 $0x8;
	[sflag:s0] =	ssyncpa.u1 $0x1  }
0x10b: {  	s26 =	simm.s32 $0x9;
	[sflag:s25] =	ssyncpa.u1 $0x1  }
0x10c: {  	s28 =	simm.s32 $0x2;
	[sflag:s26] =	ssyncpa.u1 $0x1  }
0x10d: {  	[sflag:s28] =	ssyncpa.u1 $0x1  }
0x10e: {  	v0 =	vld [tilespmem:$0xF208];
	_ =	sdelay $0x4  }
0x10f: {  	(v2sf) =	vpush v0, $0x0  }
0x110: {  	(v2sf) =	vpush v0, $0x1;
	_ =	sdelay $0x1  }
0x111: {  	(v2sf) =	vpush v0, $0x2;
	_ =	sdelay $0xb  }
0x112: {  	s0 =	spop (v2sf)  }
0x113: {  	s2 =	spop (v2sf)  }
0x114: {  	s3 =	smov.u32 s0;
	p0 =	sne.s32 s0, s2  }
0x115: {  	s4 =	spop (v2sf);
	s3 =	simm.s32 @!p0 $0xFFFFFFFF  }
0x116: {  	v2 =	vimm.s32 $0x1;
	v3 =	vlaneseq.u32;
	p0 =	seq.s32 s4, $0xFFFFFFFF;
	v1 =	vmov s3  }
0x117: {  	s7 =	stileid.u32;
	v0 =	vperm.xlane v0, v2;
	p1 =	sne.s32 @!p0 s0, s2;
	v1 =	vperm.xlane v1, v3  }
0x118: {  	vm0 =	vcmask $0x3F04;
	s6 =	simm.s32 $0xF208;
	s0 =	simm.s32 @!p0 $0x1;
	p1 =	por !p1, p0  }
0x119: {  	s3 =	sshll.u32 s7, $0x1;
	s2 =	sshll.u32 @!p0 s4, $0x9;
	s0 =	simm.s32 @p1 $0x0;
	v0 =	vsel vm0, v1, v0  }
0x11a: {  	s5 =	sor.u32 $0x1000, s3;
	s2 =	sshra.s32 @!p0 s2, $0x2;
	s0 =	sor.u32 @!p0 s0, s3;
	[tilespmem:$0xF208] =	vst v0  }
0x11b: {  	[spmem:s5] =	stream.linear.scatter [tilespmem:s6], [sflag:$0x1], $0x2, $0x38;
	[tilespmem:$0x1F6E8] =	vst v63  }
0x11c: {  	s2 =	sadd.s32 @!p0 $0x108, s2;
	s0 =	sshll.u32 @!p0 s0, $0x7  }
0x11d: {  	[spmem:s0] =	stream.linear.scatter @!p0 [tilespmem:s2], [sflag:$0x1], $0x80, $0x38;
	[tilespmem:$0x1F6E8] =	vst v63  }
0x11e: {  	s0 =	simm.s32 @!p0 $0x82  }
0x11f: {  	s3 =	simm.s32 $0x1;
	s0 =	simm.s32 @p0 $0x2  }
0x120: {  	_ =	swait.ge [sflag:s3], s0  }
0x121: {  	s0 =	ssub.s32 $0x0, s0;
	[sflag:s3] =	ssyncset.done $0x0  }
0x122: {  	[sflag:s3] =	ssyncadd.s32 s0  }
0x123: {  	_ =	sfence.stream.spmem  }
0x124: {  	s29 =	simm.s32 $0x3;
	[bflag:$0x0] =	sbarrier.arrive $0xFFFF  }
0x125: {  	s30 =	simm.s32 $0x4;
	[sflag:s29] =	ssyncpa.u1 $0x1  }
0x126: {  	s31 =	simm.s32 $0x3C;
	[sflag:s30] =	ssyncpa.u1 $0x1  }
0x127: {  	p0 =	sne.s32 s7, $0x0;
	[sflag:s31] =	ssyncpa.u1 $0x1  }
0x128: {  	_ =	sfence @p0  }
0x129: {  	[sflag:s3] =	ssyncpa.u1 @p0 $0x1  }
0x12a: {  	_ =	strace @p0 $0x9000004A  }
0x12b: {  	[bflag:$0x2] =	sbarrier.arrive @p0 $0xFFFF  }
0x12c: {  	_ =	shalt @p0  }
.LBB2_23:
0x12d: {  	_ =	sfence.stream.spmem;
	s0 =	simm.s32 $0x5  }
0x12e: {  	s2 =	simm.s32 $0x1000;
	s3 =	simm.s32 $0xF218;
	[sflag:s0] =	ssyncpa.u1 $0x0  }
0x12f: {  	[tilespmem:s3], [sflag:$0x5] =	stream.linear.gather [spmem:s2], $0x20, $0x38;
	[tilespmem:$0x1F6E8] =	vst v63  }
0x130: {  	s30 =	simm.s32 $0xF238;
	s2 =	simm.s32 $0x0  }
0x131: {  	[tilespmem:s30], [sflag:$0x5] =	stream.linear.gather [spmem:s2], $0x1000, $0x38;
	[tilespmem:$0x1F6E8] =	vst v63  }
.Ltmp17:
0x132: {  	_ = 	snop;
	(pc) =	sbr.rel .LBB2_24-.Ltmp17, $4  }
0x133: {  	_ =	swait.ge [sflag:s0], $0x1020  }
0x134: {  	[sflag:s0] =	ssyncset.done $0x0  }
0x135: {  	s31 =	simm.s32 $0x6;
	[sflag:s0] =	ssyncadd.s32 $0xFFFFEFE0  }
0x136: {  	s3 =	simm.s32 $0x0;
	[sflag:s31] =	ssyncpa.u1 $0x0  }
.LBB2_30:
0x137: {  	p0 =	slt.u32 s4, $0xC34F1  }
0x138: {  	s0 =	sand.u32 @p0 $0xFFFF8, s4  }
0x139: {  	s4 =	sand.u32 @p0 $0x7, s4;
	s5 =	simm.s32 @p0 $0xF188;
	s0 =	sadd.s32 @p0 s1, s0  }
0x13a: {  	[tilespmem:s5], [sflag:$0x6] =	stream.linear.gather @p0 [hbm4b:s0+s4], $0x80, $0x38;
	[tilespmem:$0x1F6E8] =	vst v63  }
0x13b: {  	s0 =	simm.s32 @p0 $0x6  }
0x13c: {  	_ =	swait.ge @p0 [sflag:s0], $0x80  }
0x13d: {  	[sflag:s0] =	ssyncset.done @p0 $0x0  }
0x13e: {  	[sflag:s0] =	ssyncadd.s32 @p0 $0xFFFFFF80  }
0x13f: {  	v1 =	vld @p0 [tilespmem:$0xF188];
	_ =	sdelay $0x2  }
0x140: {  	s0 =	sshll.u32 @p0 s3, $0x9  }
0x141: {  	s4 =	sshrl.u32 @p0 s0, $0x2  }
0x142: {  	[tilespmem:s4+$0xF238] =	vst.add.f32.msk @p0 $0xffff, v1  }
0x143: {  	v1 =	vld @p0 [tilespmem:$0xF198];
	_ =	sdelay $0x4  }
0x144: {  	[tilespmem:s4+$0xF248] =	vst.add.f32.msk @p0 $0xffff, v1  }
0x145: {  	v1 =	vld @p0 [tilespmem:$0xF1A8];
	_ =	sdelay $0x4  }
0x146: {  	[tilespmem:s4+$0xF258] =	vst.add.f32.msk @p0 $0xffff, v1  }
0x147: {  	v1 =	vld @p0 [tilespmem:$0xF1B8];
	_ =	sdelay $0x4  }
0x148: {  	[tilespmem:s4+$0xF268] =	vst.add.f32.msk @p0 $0xffff, v1  }
0x149: {  	v1 =	vld @p0 [tilespmem:$0xF1C8];
	_ =	sdelay $0x4  }
0x14a: {  	[tilespmem:s4+$0xF278] =	vst.add.f32.msk @p0 $0xffff, v1  }
0x14b: {  	v1 =	vld @p0 [tilespmem:$0xF1D8];
	_ =	sdelay $0x4  }
0x14c: {  	[tilespmem:s4+$0xF288] =	vst.add.f32.msk @p0 $0xffff, v1  }
0x14d: {  	v1 =	vld @p0 [tilespmem:$0xF1E8];
	_ =	sdelay $0x4  }
0x14e: {  	[tilespmem:s4+$0xF298] =	vst.add.f32.msk @p0 $0xffff, v1  }
0x14f: {  	v1 =	vld @p0 [tilespmem:$0xF1F8];
	_ =	sdelay $0x3  }
0x150: {  	s5 =	sshll.u32 @!p0 s3, $0x9  }
0x151: {  	s5 =	smov.u32 @p0 s0;
	[tilespmem:s4+$0xF2A8] =	vst.add.f32.msk @p0 $0xffff, v1  }
0x152: {  	s0 =	sshrl.u32 s5, $0x2;
	[tilespmem:s2+$0xF218] =	vst.msk $0x1, v0  }
0x153: {  	v0 =	vld [tilespmem:s0+$0xF238];
	_ =	sdelay $0x2  }
0x154: {  	s31 =	sshll.u32 s2, $0x9  }
0x155: {  	s4 =	sshra.s32 s31, $0x2  }
0x156: {  	[tilespmem:s4+$0xF238] =	vst v0  }
0x157: {  	v0 =	vld [tilespmem:s0+$0xF248];
	_ =	sdelay $0x4  }
0x158: {  	[tilespmem:s4+$0xF248] =	vst v0  }
0x159: {  	v0 =	vld [tilespmem:s0+$0xF258];
	_ =	sdelay $0x4  }
0x15a: {  	[tilespmem:s4+$0xF258] =	vst v0  }
0x15b: {  	v0 =	vld [tilespmem:s0+$0xF268];
	_ =	sdelay $0x4  }
0x15c: {  	[tilespmem:s4+$0xF268] =	vst v0  }
0x15d: {  	v0 =	vld [tilespmem:s0+$0xF278];
	_ =	sdelay $0x4  }
0x15e: {  	[tilespmem:s4+$0xF278] =	vst v0  }
0x15f: {  	v0 =	vld [tilespmem:s0+$0xF288];
	_ =	sdelay $0x4  }
0x160: {  	[tilespmem:s4+$0xF288] =	vst v0  }
0x161: {  	v0 =	vld [tilespmem:s0+$0xF298];
	_ =	sdelay $0x4  }
0x162: {  	[tilespmem:s4+$0xF298] =	vst v0  }
0x163: {  	v0 =	vld [tilespmem:s0+$0xF2A8];
	_ =	sdelay $0x4  }
0x164: {  	s2 =	sadd.s32 $0x1, s2;
	[tilespmem:s4+$0xF2A8] =	vst v0  }
.LBB2_31:
0x165: {  	s3 =	sadd.s32 $0x1, s3  }
0x166: {  	p0 =	sne.s32 s3, $0x20  }
.Ltmp18:
0x167: {  	_ = 	snop;
	(pc) =	sbr.rel @!p0 .LBB2_32-.Ltmp18, $1  }
0x168: {  	_ =	sdelay $0x3  }
.LBB2_24:
0x169: {  	v0 =	vld.msk [tilespmem:s3+$0xF218], $0x1;
	_ =	sdelay $0x4  }
0x16a: {  	(v2sf) =	vpush v0, $0x0;
	_ =	sdelay $0xe  }
0x16b: {  	s4 =	spop (v2sf)  }
0x16c: {  	p0 =	seq.s32 s4, $0xFFFFFFFF  }
.Ltmp19:
0x16d: {  	_ = 	snop;
	(pc) =	sbr.rel @p0 .LBB2_31-.Ltmp19, $1  }
0x16e: {  	_ =	sdelay $0x3  }
0x16f: {  	p0 =	slt.s32 s2, $0x1  }
.Ltmp20:
0x170: {  	_ = 	snop;
	(pc) =	sbr.rel @p0 .LBB2_30-.Ltmp20, $1  }
0x171: {  	_ =	sdelay $0x3  }
0x172: {  	s5 =	simm.s32 $0xF218;
	p0 =	por $0x0, $0x0  }
0x173: {  	v1 =	vld.msk @!p0 [tilespmem:s5+$0x0], $0x1;
	_ =	sdelay $0x4  }
0x174: {  	(v2sf) =	vpush @!p0 v1, $0x0;
	_ =	sdelay $0xd  }
0x175: {  	p2 =	sne.s32 s2, $0x1  }
.Ltmp21:
0x176: {  	s0 =	spop @!p0 (v2sf);
	(pc) =	sbr.rel @!p2 .LBB2_28-.Ltmp21, $4  }
0x177: {  	p1 =	seq.s32 @!p0 s4, s0  }
0x178: {  	s6 =	simm.s32 $0x0;
	p1 =	por !p1, p0  }
0x179: {  	s0 =	simm.s32 $0xFFFFFFFF;
	s6 =	simm.s32 @p1 $0xFFFFFFFF  }
0x17a: {  	s7 =	simm.s32 $0x1;
	s6 =	smov.u32 @p0 s0  }
.LBB2_27:
0x17b: {  	s0 =	smov.u32 s6;
	p0 =	sne.s32 s6, $0xFFFFFFFF  }
0x17c: {  	s5 =	sadd.s32 $0x1, s5;
	s6 =	smov.u32 s7;
	s7 =	sadd.s32 $0x1, s7  }
0x17d: {  	p1 =	sne.s32 s2, s7;
	v1 =	vld.msk @!p0 [tilespmem:s5+$0x0], $0x1;
	_ =	sdelay $0x4  }
0x17e: {  	(v2sf) =	vpush @!p0 v1, $0x0;
	_ =	sdelay $0xe  }
.Ltmp22:
0x17f: {  	s8 =	spop @!p0 (v2sf);
	(pc) =	sbr.rel @p1 .LBB2_27-.Ltmp22, $4  }
0x180: {  	p2 =	seq.s32 @!p0 s4, s8  }
0x181: {  	p2 =	por !p2, p0  }
0x182: {  	s6 =	simm.s32 @p2 $0xFFFFFFFF  }
0x183: {  	s6 =	smov.u32 @p0 s0  }
.LBB2_28:
0x184: {  	p0 =	seq.s32 s6, $0xFFFFFFFF  }
.Ltmp23:
0x185: {  	_ = 	snop;
	(pc) =	sbr.rel @p0 .LBB2_30-.Ltmp23, $1  }
0x186: {  	_ =	sdelay $0x3  }
0x187: {  	s0 =	sshll.u32 s3, $0x7  }
0x188: {  	s0 =	sand.u32 $0x3FFFFF80, s0  }
0x189: {  	v0 =	vld [tilespmem:s0+$0xF238];
	_ =	sdelay $0x2  }
0x18a: {  	s4 =	sshll.u32 s6, $0x9  }
0x18b: {  	s4 =	sshra.s32 s4, $0x2  }
0x18c: {  	[tilespmem:s4+$0xF238] =	vst.add.f32.msk $0xffff, v0  }
0x18d: {  	v0 =	vld [tilespmem:s0+$0xF248];
	_ =	sdelay $0x4  }
0x18e: {  	[tilespmem:s4+$0xF248] =	vst.add.f32.msk $0xffff, v0  }
0x18f: {  	v0 =	vld [tilespmem:s0+$0xF258];
	_ =	sdelay $0x4  }
0x190: {  	[tilespmem:s4+$0xF258] =	vst.add.f32.msk $0xffff, v0  }
0x191: {  	v0 =	vld [tilespmem:s0+$0xF268];
	_ =	sdelay $0x4  }
0x192: {  	[tilespmem:s4+$0xF268] =	vst.add.f32.msk $0xffff, v0  }
0x193: {  	v0 =	vld [tilespmem:s0+$0xF278];
	_ =	sdelay $0x4  }
0x194: {  	[tilespmem:s4+$0xF278] =	vst.add.f32.msk $0xffff, v0  }
0x195: {  	v0 =	vld [tilespmem:s0+$0xF288];
	_ =	sdelay $0x4  }
0x196: {  	[tilespmem:s4+$0xF288] =	vst.add.f32.msk $0xffff, v0  }
0x197: {  	v0 =	vld [tilespmem:s0+$0xF298];
	_ =	sdelay $0x4  }
0x198: {  	[tilespmem:s4+$0xF298] =	vst.add.f32.msk $0xffff, v0  }
0x199: {  	v0 =	vld [tilespmem:s0+$0xF2A8]  }
.Ltmp24:
0x19a: {  	_ = 	snop;
	(pc) =	sbr.rel .LBB2_31-.Ltmp24, $2  }
0x19b: {  	_ =	sdelay $0x2  }
0x19c: {  	[tilespmem:s4+$0xF2A8] =	vst.add.f32.msk $0xffff, v0  }
.LBB2_32:
0x19d: {  	p0 =	slt.s32 s2, $0x1  }
.Ltmp25:
0x19e: {  	_ = 	snop;
	(pc) =	sbr.rel @p0 .LBB2_36-.Ltmp25, $3  }
0x19f: {  	_ =	sdelay $0x1  }
0x1a0: {  	s0 =	simm.s32 $0x6  }
0x1a1: {  	s3 =	simm.s32 $0x0;
	[sflag:s0] =	ssyncpa.u1 $0x1  }
0x1a2: {  	s0 =	simm.s32 $0xF218  }
0x1a3: {  	v0 =	vld.msk [tilespmem:s0+$0x0], $0x1;
	_ =	sdelay $0x4  }
0x1a4: {  	(v2sf) =	vpush v0, $0x0;
	_ =	sdelay $0xd  }
0x1a5: {  	s2 =	sadd.s32 $0xFFFFFFFF, s2  }
0x1a6: {  	p1 =	sne.s32 s2, $0x0;
	s0 =	spop (v2sf)  }
.Ltmp26:
0x1a7: {  	p0 =	sgt.u32 s0, $0xC34F0;
	(pc) =	sbr.rel @!p1 .LBB2_35-.Ltmp26, $4  }
0x1a8: {  	s4 =	simm.s32 $0xF238;
	s5 =	sand.u32 @!p0 $0xFFFF8, s0  }
0x1a9: {  	s6 =	simm.s32 $0x0;
	s0 =	sand.u32 @!p0 $0x7, s0;
	s5 =	sadd.s32 @!p0 s1, s5  }
0x1aa: {  	[hbm4b:s5+s0] =	stream.linear.scatter @!p0 [tilespmem:s4], [sflag:$0x5], $0x80, $0x38;
	[tilespmem:$0x1F6E8] =	vst v63  }
0x1ab: {  	s6 =	simm.s32 @!p0 $0x200;
	s5 =	simm.s32 $0xF219  }
.LBB2_34:
0x1ac: {  	v0 =	vld.msk [tilespmem:s5+$0x0], $0x1;
	s2 =	sadd.s32 $0xFFFFFFFF, s2;
	s3 =	sadd.s32 s3, s6  }
0x1ad: {  	p0 =	sne.s32 s2, $0x0;
	_ =	sdelay $0x3  }
0x1ae: {  	(v2sf) =	vpush v0, $0x0;
	_ =	sdelay $0xe  }
.Ltmp27:
0x1af: {  	s0 =	spop (v2sf);
	(pc) =	sbr.rel @p0 .LBB2_34-.Ltmp27, $4  }
0x1b0: {  	s6 =	simm.s32 $0x0;
	p1 =	sgt.u32 s0, $0xC34F0  }
0x1b1: {  	s4 =	sadd.s32 $0x80, s4;
	s6 =	simm.s32 @!p1 $0x200;
	s7 =	sand.u32 @!p1 $0xFFFF8, s0  }
0x1b2: {  	s5 =	sadd.s32 $0x1, s5;
	s0 =	sand.u32 @!p1 $0x7, s0;
	s7 =	sadd.s32 @!p1 s1, s7  }
0x1b3: {  	[hbm4b:s7+s0] =	stream.linear.scatter @!p1 [tilespmem:s4], [sflag:$0x5], $0x80, $0x38;
	[tilespmem:$0x1F6E8] =	vst v63  }
.LBB2_35:
0x1b4: {  	s0 =	sadd.s32 s3, s6  }
0x1b5: {  	s3 =	sshrl.u32 s0, $0x2  }
.LBB2_36:
0x1b6: {  	s0 =	simm.s32 $0x5  }
0x1b7: {  	_ =	swait.ge [sflag:s0], s3  }
0x1b8: {  	s1 =	ssub.s32 $0x0, s3;
	[sflag:s0] =	ssyncset.done $0x0  }
0x1b9: {  	[sflag:s0] =	ssyncadd.s32 s1  }
0x1ba: {  	[sflag:s0] =	ssyncpa.u1 $0x1  }
0x1bb: {  	s30 =	simm.s32 $0x1;
	_ =	sfence  }
0x1bc: {  	[sflag:s30] =	ssyncpa.u1 $0x1  }
0x1bd: {  	_ =	strace $0x9000004A  }
0x1be: {  	[bflag:$0x2] =	sbarrier.arrive $0xFFFF  }
0x1bf: {  	s31 =	rddreg [dreg:$0x1]  }
0x1c0: {  	s0 =	sadd.s32 $0x100000, s31  }
0x1c1: {  	[sflag:s0] =	ssyncadd.tile.s32 $0x1;
	_ =	shalt  }
.Lfunc_end2:
_tile_overlayer_lowered:
.L_overlay_start_2:
0x1c2: {  	(tag) =	ssettag $0x2  }
0x1c3: {  	s0 =	rddreg [dreg:$0x0];
	s2 =	stileid.u32  }
0x1c4: {  	s1 =	rddreg [dreg:$0x1];
	p0 =	sne.s32 s2, $0x0  }
0x1c5: {  	s3 =	rddreg [dreg:$0x2];
	[bflag:$0x3] =	sbarrier.arrive $0xFFFF;
	s2 =	simm.s32 @!p0 $0x1C01  }
0x1c6: {  	[timem:s3], [sflag:s2] =	dma.local @!p0 [hbm:s0], s1  }
0x1c7: {  	s0 =	simm.s32 @!p0 $0x1  }
0x1c8: {  	_ =	swait.ge @!p0 [sflag:s0], s1  }
0x1c9: {  	s1 =	ssub.s32 @!p0 $0x0, s1;
	[sflag:s0] =	ssyncset.done @!p0 $0x0  }
0x1ca: {  	[sflag:s0] =	ssyncadd.s32 @!p0 s1  }
0x1cb: {  	[bflag:$0x3] =	sbarrier.arrive $0xFFFF  }
0x1cc: {  	_ =	shalt  }

// kernel: scatter_offload_async_start.2
scs
__scs_entry_jumppad:
0x0: {  	(pc) =	sbr.rel $0x88, $3  }
0x1: {  	(tag) =	ssettag $0x0;
	lr =	simm.s32 $0x1  }
0x2: {  	[smem:$0x3F8B] =	sst lr;
	_ =	strace $0xD0000000  }
0x3: {  	_ = 	snop  }
0x4: {  	_ = 	snop  }
0x5: {  	_ = 	snop  }
0x6: {  	_ = 	snop  }
0x7: {  	_ = 	snop  }
__scs_overlays_trampoline_lowered:
0x8: {  	[smem:$0x3F9A] =	sst s0  }
0x9: {  	[smem:$0x3F9B] =	sst s1  }
0xa: {  	[smem:$0x3F9C] =	sst s2  }
0xb: {  	[smem:$0x3F9D] =	sst s3  }
0xc: {  	[smem:$0x3F9E] =	sst s4  }
0xd: {  	[smem:$0x3F9F] =	sst s5  }
0xe: {  	[smem:$0x3FA0] =	sst s6  }
0xf: {  	[smem:$0x3FA1] =	sst s7  }
0x10: {  	[smem:$0x3FA2] =	sst s8  }
0x11: {  	[smem:$0x3FA3] =	sst s9;
	s0 =	simm.s32 @!p0 $0x0  }
0x12: {  	s1 =	sld [smem:$0x3F89];
	s0 =	simm.s32 @p0 $0x1  }
0x13: {  	[smem:$0x3FA4] =	sst s0;
	s0 =	simm.s32 @!p1 $0x0  }
0x14: {  	s2 =	sld [smem:$0x3F88];
	s0 =	simm.s32 @p1 $0x1  }
0x15: {  	[smem:$0x3FA5] =	sst s0;
	s0 =	simm.s32 @!p2 $0x0  }
0x16: {  	s3 =	sld [smem:$0x3FDB];
	s0 =	simm.s32 @p2 $0x1  }
0x17: {  	s4 =	simm.s32 $0x1BF5;
	[smem:$0x3FA7] =	sst s0  }
0x18: {  	s0 =	sld [smem:$0x3F8A];
	_ =	swait.ge [sflag:s4], $0x0  }
0x19: {  	s7 =	sld [smem:$0x3F8B]  }
0x1a: {  	s8 =	sadd.s32 $0xFFFFE003, lr  }
0x1b: {  	s9 =	sadd.s32 $0xFFFFFEF7, lr;
	s5 =	simm.s32 $0xFFFFFFFF;
	p2 =	slt.u32 s8, $0xFFFFF086  }
0x1c: {  	p1 =	slt.u32 s9, $0xF7A;
	s5 =	simm.s32 @!p2 $0x0  }
0x1d: {  	s5 =	simm.s32 @p1 $0x1;
	p0 =	seq.s32 s7, s2  }
0x1e: {  	s7 =	smul.u32 @!p0 $0xF7A, s2;
	p2 =	seq.s32 @!p0 s5, $0x0  }
0x1f: {  	s9 =	smul.u32 $0xF7A, s1;
	s8 =	simm.s32 @!p0 $0x1BF5;
	p2 =	por !p2, p0  }
0x20: {  	[sflag:s8] =	ssyncset.s32 @!p0 $0xFFFFF086;
	s6 =	sadd.s32 @!p0 s3, s7;
	s7 =	simm.s32 @!p0 $0x108  }
0x21: {  	s3 =	sadd.s32 s3, s9;
	s6 =	sadd.s32 @!p0 $0x88, s6;
	s7 =	simm.s32 @p2 $0x1082  }
0x22: {  	[simem:s7], [sflag:s8] =	dma.local @!p0 [hbm:s6], $0xF7A  }
0x23: {  	s9 =	sor.u32 $0xD0000000, s2;
	s6 =	simm.s32 $0x108;
	_ =	swait.ge @!p0 [sflag:s8], $0x0  }
0x24: {  	s3 =	sadd.s32 $0x88, s3;
	s6 =	simm.s32 @!p1 $0x1082;
	[sflag:s4] =	ssyncset.s32 $0xFFFFF086  }
0x25: {  	[simem:s6], [sflag:s4] =	dma.local [hbm:s3], $0xF7A  }
0x26: {  	[smem:$0x3F8B] =	sst s1;
	(tag) =	ssettag s2;
	_ =	strace s9  }
0x27: {  	s1 =	sld [smem:$0x3F9B]  }
0x28: {  	s2 =	sld [smem:$0x3F9C]  }
0x29: {  	s4 =	sld [smem:$0x3F9E]  }
0x2a: {  	p0 =	seq.s32 s5, $0x0;
	s5 =	sld [smem:$0x3F9F]  }
0x2b: {  	s6 =	sld [smem:$0x3FA0]  }
0x2c: {  	s7 =	sld [smem:$0x3FA1]  }
0x2d: {  	s3 =	simm.s32 $0x108;
	s8 =	sld [smem:$0x3FA2]  }
0x2e: {  	s3 =	simm.s32 @!p0 $0x1082;
	s9 =	sld [smem:$0x3FA3]  }
0x2f: {  	lr =	sadd.s32 s0, s3;
	s0 =	sld [smem:$0x3F9A]  }
0x30: {  	s3 =	sld [smem:$0x3F9D]  }
0x31: {  	[smem:$0x3FA6] =	sst s10  }
0x32: {  	s10 =	sld [smem:$0x3FA4];
	_ =	sdelay $0x3  }
0x33: {  	p0 =	seq.s32 s10, $0x1;
	s10 =	sld [smem:$0x3FA6];
	_ =	sdelay $0x3  }
0x34: {  	[smem:$0x3FA6] =	sst s10  }
0x35: {  	s10 =	sld [smem:$0x3FA5];
	_ =	sdelay $0x3  }
0x36: {  	p1 =	seq.s32 s10, $0x1;
	s10 =	sld [smem:$0x3FA6];
	_ =	sdelay $0x3  }
0x37: {  	[smem:$0x3FA6] =	sst s10  }
0x38: {  	s10 =	sld [smem:$0x3FA7]  }
0x39: {  	_ = 	snop;
	(pc) =	sbr.ind lr, $3  }
0x3a: {  	_ = 	snop  }
0x3b: {  	_ = 	snop  }
0x3c: {  	p2 =	seq.s32 s10, $0x1;
	s10 =	sld [smem:$0x3FA6]  }
0x3d: {  	_ =	shalt  }
0x3e: {  	_ =	shalt  }
0x3f: {  	_ =	shalt  }
0x40: {  	_ =	shalt  }
0x41: {  	_ =	shalt  }
0x42: {  	_ =	shalt  }
0x43: {  	_ =	shalt  }
0x44: {  	_ =	shalt  }
0x45: {  	_ =	shalt  }
0x46: {  	_ =	shalt  }
0x47: {  	_ =	shalt  }
0x48: {  	_ =	shalt  }
0x49: {  	_ =	shalt  }
0x4a: {  	_ =	shalt  }
0x4b: {  	_ =	shalt  }
0x4c: {  	_ =	shalt  }
0x4d: {  	_ =	shalt  }
0x4e: {  	_ =	shalt  }
0x4f: {  	_ =	shalt  }
0x50: {  	_ =	shalt  }
0x51: {  	_ =	shalt  }
0x52: {  	_ =	shalt  }
0x53: {  	_ =	shalt  }
0x54: {  	_ =	shalt  }
0x55: {  	_ =	shalt  }
0x56: {  	_ =	shalt  }
0x57: {  	_ =	shalt  }
0x58: {  	_ =	shalt  }
0x59: {  	_ =	shalt  }
0x5a: {  	_ =	shalt  }
0x5b: {  	_ =	shalt  }
0x5c: {  	_ =	shalt  }
0x5d: {  	_ =	shalt  }
0x5e: {  	_ =	shalt  }
0x5f: {  	_ =	shalt  }
0x60: {  	_ =	shalt  }
0x61: {  	_ =	shalt  }
0x62: {  	_ =	shalt  }
0x63: {  	_ =	shalt  }
0x64: {  	_ =	shalt  }
0x65: {  	_ =	shalt  }
0x66: {  	_ =	shalt  }
0x67: {  	_ =	shalt  }
0x68: {  	_ =	shalt  }
0x69: {  	_ =	shalt  }
0x6a: {  	_ =	shalt  }
0x6b: {  	_ =	shalt  }
0x6c: {  	_ =	shalt  }
0x6d: {  	_ =	shalt  }
0x6e: {  	_ =	shalt  }
0x6f: {  	_ =	shalt  }
0x70: {  	_ =	shalt  }
0x71: {  	_ =	shalt  }
0x72: {  	_ =	shalt  }
0x73: {  	_ =	shalt  }
0x74: {  	_ =	shalt  }
0x75: {  	_ =	shalt  }
0x76: {  	_ =	shalt  }
0x77: {  	_ =	shalt  }
0x78: {  	_ =	shalt  }
0x79: {  	_ =	shalt  }
0x7a: {  	_ =	shalt  }
0x7b: {  	_ =	shalt  }
0x7c: {  	_ =	shalt  }
0x7d: {  	_ =	shalt  }
0x7e: {  	_ =	shalt  }
0x7f: {  	_ =	shalt  }
0x80: {  	_ =	shalt  }
0x81: {  	_ =	shalt  }
0x82: {  	_ =	shalt  }
0x83: {  	_ =	shalt  }
0x84: {  	_ =	shalt  }
0x85: {  	_ =	shalt  }
0x86: {  	_ =	shalt  }
0x87: {  	_ =	shalt  }
.Lfunc_end0:
.L_simem_size_0:
called_computation.2_lowered:
.L_overlay_start_0:
0x88: {  	s0 =	sld [smem:$0x3FD9]  }
0x89: {  	s1 =	sld [smem:$0x3FFE];
	_ =	sdelay $0x3  }
0x8a: {  	s0 =	sadd.s32 s1, s0  }
0x8b: {  	[smem:$0x3FB2] =	sst s0  }
0x8c: {  	_ = 	snop  }
0x8d: {  	(tm) =	ssettm $0x1  }
0x8e: {  	s15 =	sld [smem:$0x3FFB];
	_ =	sdelay $0x3  }
0x8f: {  	_ =	strace s15  }
0x90: {  	s0 =	sld [smem:$0x3FFC];
	_ =	sdelay $0x3  }
0x91: {  	_ =	strace s0  }
0x92: {  	s0 =	sld [smem:$0x3FFD];
	_ =	sdelay $0x3  }
0x93: {  	_ =	strace s0  }
0x94: {  	_ =	strace $0x8FFFFFFF  }
0x95: {  	s16 =	sld [smem:$0x3FDB];
	_ =	sdelay $0x1  }
0x96: {  	s17 =	simm.s32 $_scs_section_size  }
0x97: {  	s2 =	simm.s32 $_size__tile_overlayer_lowered;
	s3 =	simm.s32 $_tile_overlayer_lowered  }
0x98: {  	s20 =	simm.s32 $0x1BFF;
	s19 =	sshll.u32 s3, $0x1;
	s0 =	sadd.s32 s17, s16  }
0x99: {  	s4 =	simm.s32 $0x0;
	s18 =	sshll.u32 s2, $0x1;
	s2 =	sadd.s32 s19, s0  }
0x9a: {  	[timem:s4], [sflag:s20] =	dma.local [hbm:s2], s18  }
0x9b: {  	_ =	swait.ge [sflag:s20], s18  }
0x9c: {  	s1 =	ssub.s32 $0x0, s18;
	[sflag:s20] =	ssyncset.done $0x0  }
0x9d: {  	[sflag:s20] =	ssyncadd.s32 s1;
	_ =	sdelay $0x1  }
0x9e: {  	s21 =	simm.s32 $0x1B8B  }
0x9f: {  	_ =	swait.ge [sflag:s21], $0x1  }
0xa0: {  	[sflag:s21] =	ssyncset.done $0x0  }
0xa1: {  	s23 =	simm.s32 $0x1B8E;
	s22 =	sld [smem:$0x3FFE];
	[sflag:s21] =	ssyncadd.s32 $0xFFFFFFFF  }
0xa2: {  	s24 =	simm.s32 $execute0_lowered;
	[smem:$0x3FD2] =	sst s23  }
0xa3: {  	s2 =	sshll.u32 s24, $0x1;
	_ =	strace $0x8000004C;
	[dreg:$0x1] =	wrdreg $0xFFFFFFFF  }
0xa4: {  	s25 =	simm.s32 $_size_execute0_lowered;
	s0 =	sadd.s32 s0, s2;
	[dreg:$0x0] =	wrdreg $0x0  }
0xa5: {  	s2 =	sshll.u32 s25, $0x1;
	[dreg:$0x2] =	wrdreg s0  }
0xa6: {  	[dreg:$0x3] =	wrdreg s2  }
0xa7: {  	[dreg:$0x4] =	wrdreg $0xC0  }
0xa8: {  	_ =	task [dreg:s4], $0x5FFFF  }
0xa9: {  	[dreg:$0x1] =	wrdreg $0xFFFFFFFF  }
0xaa: {  	[dreg:$0x0] =	wrdreg $0x60  }
0xab: {  	[dreg:$0x2] =	wrdreg s22  }
0xac: {  	[dreg:$0x3] =	wrdreg $0x9  }
0xad: {  	_ =	task.clear_ibuf [dreg:s4], $0x4FFFF;
	_ =	strace $0x9000004C  }
0xae: {  	s26 =	simm.s32 $0x9;
	_ =	strace $0x8000004E  }
0xaf: {  	_ =	swait.ge [sflag:s26], $0x1  }
0xb0: {  	[sflag:s26] =	ssyncadd.s32 $0xFFFFFFFF  }
0xb1: {  	_ =	strace $0x9000004E  }
0xb2: {  	_ =	sfence  }
0xb3: {  	s28 =	sld [smem:$0x0];
	_ =	sdelay $0x1  }
0xb4: {  	s29 =	srdreg.scid  }
0xb5: {  	s30 =	sshll.u32 s29, $0xD;
	s31 =	sshrl.u32 s29, $0x2  }
0xb6: {  	s1 =	sand.u32 $0x1, s29;
	s2 =	sand.u32 $0x4000, s30;
	s0 =	sadd.s32 s31, s28  }
0xb7: {  	s1 =	sor.u32 s2, s1;
	s0 =	sshll.u32 s0, $0x11  }
0xb8: {  	s0 =	sor.u32 s0, s1  }
0xb9: {  	s0 =	sadd.s32 $0x8F2B, s0  }
0xba: {  	[sflag:s0] =	ssyncadd.remote.s32 $0x1  }
0xbb: {  	_ =	sfence.sel $0xFFFF  }
0xbc: {  	[dreg:$0x0] =	wrdreg $0xFFFFFFFF;
	(pc) =	sbr.abs _section_cstart, $3  }
0xbd: {  	[dreg:$0x1] =	wrdreg $0xFFFFFFFF  }
0xbe: {  	_ =	task.clear_ibuf [dreg:s4], $0x2FFFF;
	_ =	strace $0x9FFFFFFF  }
0xbf: {  	(tm) =	ssettm $0x7FFFFFFF  }
tec
execute0_lowered:
.L_overlay_start_1:
0x0: {  	(tag) =	ssettag $0x1  }
0x1: {  	s0 =	rddreg [dreg:$0x0];
	_ =	strace $0x8000004D;
	s1 =	simm.s32 $0x1  }
0x2: {  	s8 =	simm.s32 $0x108;
	v0 =	vimm.s32 $0x0;
	[sflag:s1] =	ssyncpa.u1 $0x0  }
0x3: {  	[tilespmem:s8+$0x70] =	vst v0  }
0x4: {  	[tilespmem:s8+$0x60] =	vst v0  }
0x5: {  	[tilespmem:s8+$0x50] =	vst v0  }
0x6: {  	[tilespmem:s8+$0x40] =	vst v0  }
0x7: {  	[tilespmem:s8+$0x30] =	vst v0  }
0x8: {  	s2 =	simm.s32 $0x40;
	s1 =	sadd.s32 $0xD96000, s0;
	[tilespmem:s8+$0x20] =	vst v0  }
0x9: {  	s3 =	sadd.s32 $0x69A00, s0;
	s4 =	sadd.s32 $0x9DA00, s0;
	s5 =	sadd.s32 $0x83A00, s0;
	[tilespmem:s8+$0x10] =	vst v0  }
.LBB2_1:
0xa: {  	s2 =	sadd.s32 $0x40, s2;
	[tilespmem:s8+$0x0] =	vst v0;
	s8 =	sadd.s32 $0x80, s8  }
0xb: {  	p0 =	slt.u32 s2, $0x3C40;
	[tilespmem:s8+$0x70] =	vst v0  }
0xc: {  	[tilespmem:s8+$0x60] =	vst v0  }
.Ltmp0:
0xd: {  	[tilespmem:s8+$0x50] =	vst v0;
	(pc) =	sbr.rel @p0 .LBB2_1-.Ltmp0, $4  }
0xe: {  	[tilespmem:s8+$0x40] =	vst v0  }
0xf: {  	[tilespmem:s8+$0x30] =	vst v0  }
0x10: {  	[tilespmem:s8+$0x20] =	vst v0  }
0x11: {  	[tilespmem:s8+$0x10] =	vst v0  }
0x12: {  	s13 =	stileid.u32  }
0x13: {  	s0 =	smul.u32 $0xDD, s13  }
0x14: {  	s2 =	smin.u32 s13, $0x6  }
0x15: {  	s0 =	sadd.s32 s2, s0  }
0x16: {  	p0 =	slt.u32 s13, $0x6;
	s6 =	smul.u32 $0xF0, s0;
	s0 =	simm.s32 $0xD020  }
0x17: {  	s0 =	simm.s32 @!p0 $0xCF30  }
0x18: {  	s0 =	sadd.s32 s0, s6  }
0x19: {  	s7 =	smin.u32 s0, $0xCF850  }
0x1a: {  	s0 =	ssub.s32 s7, s6  }
0x1b: {  	p0 =	sgt.s32 s0, $0x0  }
0x1c: {  	s0 =	simm.s32 @!p0 $0x0  }
0x1d: {  	s31 =	smulhi.u32 $0x88888889, s0  }
0x1e: {  	s30 =	simm.s32 $0x2;
	s9 =	simm.s32 $0x7;
	s10 =	simm.s32 $0x8  }
0x1f: {  	s19 =	simm.s32 $0x0;
	s15 =	simm.s32 $0xA;
	s2 =	sshrl.u32 s31, $0x7  }
0x20: {  	s17 =	simm.s32 $0x0;
	s18 =	simm.s32 $0x0;
	s11 =	smul.u32 $0xF0, s2  }
.Ltmp1:
0x21: {  	[tilespmem:s8+$0x0] =	vst v0;
	v0 =	vimm.s32 $0xFFFFFFFF;
	[sflag:s30] =	ssyncpa.u1 $0x0;
	s13 =	sshll.u32 s13, $0x8;
	(pc) =	sbr.rel .LBB2_3-.Ltmp1, $4  }
0x22: {  	[tilespmem:$0xF208] =	vst v0;
	[sflag:s9] =	ssyncpa.u1 $0x0;
	p0 =	sne.s32 s0, s11;
	s0 =	simm.s32 $0x1  }
0x23: {  	[sflag:s10] =	ssyncpa.u1 $0x0;
	s10 =	simm.s32 $0x9;
	s0 =	simm.s32 @!p0 $0x0  }
0x24: {  	[sflag:s10] =	ssyncpa.u1 $0x0;
	s16 =	smov.u32 s6;
	s12 =	sadd.s32 s0, s2  }
0x25: {  	v0 =	vlaneseq.u32;
	s11 =	simm.s32 $0x1;
	p0 =	por $0x0, $0x0;
	s14 =	sadd.s32 $0x1, s12  }
.LBB2_18:
0x26: {  	s0 =	sshrl.u32 s28, $0x2  }
.LBB2_20:
0x27: {  	_ =	swait.ge [sflag:s15], s0  }
0x28: {  	s31 =	ssub.s32 $0x0, s0;
	v1 =	vmov s21;
	vm0 =	veq.s32 v0, $0x0;
	[sflag:s15] =	ssyncset.done $0x0  }
0x29: {  	vm15 =	veq.s32 v0, $0x2;
	v1 =	vsel vm0, s26, v1;
	[sflag:s15] =	ssyncadd.s32 s31  }
0x2a: {  	v1 =	vsel vm15, s19, v1;
	[sflag:s15] =	ssyncpa.u1 $0x1  }
0x2b: {  	[tilespmem:$0xF208] =	vst v1  }
.LBB2_21:
0x2c: {  	s0 =	sadd.s32 $0xF0, s16  }
0x2d: {  	s2 =	smov.u32 s6;
	p1 =	slt.s32 s0, s7  }
0x2e: {  	s2 =	smov.u32 @p1 s0;
	p1 =	sne.s32 s18, s14  }
.Ltmp2:
0x2f: {  	_ = 	snop;
	(pc) =	sbr.rel @!p1 .LBB2_22-.Ltmp2, $3  }
0x30: {  	_ =	sdelay $0x1  }
0x31: {  	s19 =	smov.u32 s17;
	s31 =	sadd.s32 $0x1, s18;
	s17 =	smov.u32 s16  }
0x32: {  	p0 =	por !p0, !p0;
	s18 =	smov.u32 s31;
	s16 =	smov.u32 s2  }
.LBB2_3:
0x33: {  	p1 =	sge.u32 s18, s12  }
0x34: {  	s0 =	smulhi.u32 @!p1 $0xAAAAAAAB, s18  }
0x35: {  	s2 =	smov.u32 s16;
	p2 =	sgt.s32 @!p1 s16, $0xCF760  }
0x36: {  	s20 =	sshra.s32 @!p1 s16, $0x1F;
	p2 =	por !p2, p1;
	s0 =	sshrl.u32 @!p1 s0, $0x1  }
0x37: {  	s20 =	sand.u32 @!p1 s20, s16;
	s2 =	simm.s32 @p2 $0xCF760;
	s0 =	smul.u32 @!p1 $0x3, s0  }
0x38: {  	s2 =	ssub.s32 @!p1 s2, s20  }
0x39: {  	s2 =	sadd.s32 @!p1 $0xFFF308A0, s2;
	s0 =	ssub.s32 @!p1 s18, s0  }
0x3a: {  	s20 =	sshll.u32 @!p1 s2, $0x2;
	p2 =	sgt.s32 @!p1 s2, $0xEF;
	s0 =	smul.u32 @!p1 $0x3C0, s0  }
0x3b: {  	s21 =	sand.u32 @!p1 $0x7, s16;
	s2 =	ssub.s32 @!p1 $0x3C0, s20;
	p2 =	por !p2, p1  }
0x3c: {  	s20 =	sshrl.u32 @!p1 s16, $0x3;
	s2 =	sshrl.u32 @!p1 s2, $0x2;
	s0 =	sshrl.u32 @!p1 s0, $0x2  }
0x3d: {  	s20 =	sadd.s32 @!p1 s5, s20;
	s2 =	simm.s32 @!p2 $0x0;
	s0 =	sadd.s32 @!p1 $0x10238, s0  }
0x3e: {  	[tilespmem:s0], [sflag:$0x8] =	stream.linear.gather @!p1 [hbm4b:s20+s21], s2, $0x38;
	[tilespmem:$0x1F6E8] =	vst v63  }
0x3f: {  	s0 =	sadd.s32 $0xFFFFFFFF, s18  }
0x40: {  	p1 =	sge.u32 s0, s12  }
0x41: {  	p2 =	sgt.s32 @!p1 s17, $0xCF760  }
0x42: {  	s2 =	smov.u32 s17;
	s20 =	sshra.s32 @!p1 s17, $0x1F;
	p2 =	por !p2, p1  }
0x43: {  	s20 =	sand.u32 @!p1 s20, s17;
	s2 =	simm.s32 @p2 $0xCF760  }
0x44: {  	s2 =	ssub.s32 @!p1 s2, s20  }
0x45: {  	s2 =	sadd.s32 @!p1 $0xFFF308A0, s2  }
0x46: {  	s21 =	sand.u32 @!p1 $0x1, s0;
	s20 =	sshll.u32 @!p1 s2, $0x2  }
0x47: {  	p2 =	sgt.s32 @!p1 s2, $0xEF;
	s2 =	ssub.s32 @!p1 $0x3C0, s20;
	s20 =	smulhi.u32 @!p1 $0xAAAAAAAB, s0  }
0x48: {  	s23 =	smul.u32 @!p1 $0x3C0, s21;
	p2 =	por !p2, p1;
	s2 =	sshrl.u32 @!p1 s2, $0x2  }
0x49: {  	s22 =	simm.s32 @!p1 $0x8;
	s2 =	simm.s32 @!p2 $0x0;
	s20 =	sshrl.u32 @!p1 s20, $0x1  }
0x4a: {  	s23 =	sshrl.u32 @!p1 s23, $0x2;
	_ =	swait.ge @!p1 [sflag:s22], s2;
	s20 =	smul.u32 @!p1 $0x3, s20  }
0x4b: {  	s23 =	sor.u32 @!p1 $0x10508, s23;
	s24 =	ssub.s32 @!p1 $0x0, s2;
	[sflag:s22] =	ssyncset.done @!p1 $0x0  }
0x4c: {  	[sflag:s22] =	ssyncadd.s32 @!p1 s24;
	s22 =	sshrl.u32 @!p1 s17, $0x3;
	s0 =	ssub.s32 @!p1 s0, s20  }
0x4d: {  	s24 =	sand.u32 @!p1 $0x7, s17;
	s22 =	sadd.s32 @!p1 s3, s22;
	s0 =	smul.u32 @!p1 $0x3C0, s0  }
0x4e: {  	[tilespmem:s23], [sflag:$0x9] =	stream.linear.gather @!p1 [hbm4b:s22+s24], s2, $0x38;
	[tilespmem:$0x1F6E8] =	vst v63  }
0x4f: {  	s20 =	ssub.s32 @!p1 $0xCF850, s17;
	s2 =	smul.u32 @!p1 $0x1E000, s21  }
0x50: {  	p2 =	slt.s32 @!p1 s20, $0xF0  }
0x51: {  	p2 =	por !p2, p1;
	s0 =	sshrl.u32 @!p1 s0, $0x2;
	s2 =	sshrl.u32 @!p1 s2, $0x2  }
0x52: {  	s20 =	simm.s32 @p2 $0xF0;
	s0 =	sadd.s32 @!p1 $0x10238, s0;
	s2 =	sor.u32 @!p1 $0x106E8, s2  }
0x53: {  	[tilespmem:s2], [sflag:$0x7] =	stream.indirect.gather @!p1 [hbm4b:s4+s20], $0x80, s0, s20, $0xb8;
	[tilespmem:$0x1F6E8] =	vst v63  }
0x54: {  	p1 =	slt.u32 s18, $0x2  }
.Ltmp3:
0x55: {  	_ = 	snop;
	(pc) =	sbr.rel @p1 .LBB2_21-.Ltmp3, $1  }
0x56: {  	_ =	sdelay $0x3  }
0x57: {  	p1 =	sgt.s32 s19, $0xCF760;
	s0 =	smov.u32 s19  }
0x58: {  	s2 =	sshra.s32 s19, $0x1F;
	s20 =	ssub.s32 $0xCF850, s19;
	s0 =	simm.s32 @!p1 $0xCF760  }
0x59: {  	s2 =	sand.u32 s2, s19;
	p1 =	slt.s32 s20, $0xF0;
	s21 =	smov.u32 s20  }
0x5a: {  	s0 =	ssub.s32 s0, s2;
	s21 =	simm.s32 @!p1 $0xF0  }
0x5b: {  	s0 =	sadd.s32 $0xFFF308A0, s0;
	s28 =	sshll.u32 s21, $0x7  }
0x5c: {  	s29 =	sshll.u32 s0, $0x2;
	s2 =	sand.u32 $0x3FFFFF80, s28  }
0x5d: {  	p1 =	sgt.s32 s0, $0xEF;
	s30 =	ssub.s32 $0x3C0, s29;
	_ =	swait.ge [sflag:s9], s2  }
0x5e: {  	s2 =	ssub.s32 $0x0, s2;
	[sflag:s9] =	ssyncset.done $0x0;
	s0 =	sshrl.u32 s30, $0x2  }
0x5f: {  	[sflag:s9] =	ssyncadd.s32 s2;
	s0 =	simm.s32 @p1 $0x0  }
0x60: {  	_ =	swait.ge [sflag:s10], s0  }
0x61: {  	s0 =	ssub.s32 $0x0, s0;
	[sflag:s10] =	ssyncset.done $0x0  }
0x62: {  	[sflag:s10] =	ssyncadd.s32 s0  }
0x63: {  	v1 =	vld [tilespmem:$0xF208];
	_ =	sdelay $0x4  }
0x64: {  	(v2sf) =	vpush v1, $0x0  }
0x65: {  	(v2sf) =	vpush v1, $0x1  }
0x66: {  	(v2sf) =	vpush v1, $0x2;
	_ =	sdelay $0x3  }
0x67: {  	s0 =	sadd.s32 $0xF0, s19  }
0x68: {  	p1 =	slt.s32 s7, s0  }
0x69: {  	s0 =	smov.u32 @p1 s7;
	p1 =	sgt.s32 s20, $0x0  }
0x6a: {  	s23 =	ssub.s32 s0, s19;
	s20 =	simm.s32 @!p1 $0x0  }
0x6b: {  	p1 =	slt.s32 s20, s23  }
0x6c: {  	s23 =	smov.u32 @p1 s20  }
0x6d: {  	s22 =	simm.s32 $0x1;
	p1 =	slt.s32 s23, $0x1  }
.Ltmp4:
0x6e: {  	s22 =	simm.s32 @!p0 $0x0;
	(pc) =	sbr.rel @p1 .LBB2_8-.Ltmp4, $4  }
0x6f: {  	s31 =	smul.u32 $0x3C0, s22  }
0x70: {  	s24 =	spop (v2sf)  }
0x71: {  	s0 =	sshrl.u32 s31, $0x2;
	s26 =	spop (v2sf)  }
0x72: {  	s20 =	sor.u32 $0x10508, s0;
	s19 =	spop (v2sf)  }
0x73: {  	s0 =	smin.u32 s23, $0x10  }
0x74: {  	v1 =	vmov s0  }
0x75: {  	p2 =	sgt.s32 s23, $0x10;
	vm1 =	vgt.u32 v1, v0  }
.Ltmp5:
0x76: {  	_ = 	snop;
	(pc) =	sbr.rel @!p2 .LBB2_7-.Ltmp5, $2  }
0x77: {  	_ =	sdelay $0x2  }
0x78: {  	s25 =	simm.s32 $0x10;
	s28 =	sadd.s32 $0xFFFFFFF0, s23;
	s21 =	smov.u32 s20;
	vm0 =	vmmov vm1  }
.LBB2_6:
0x79: {  	s0 =	smin.u32 s28, $0x10;
	s25 =	sadd.s32 $0x10, s25;
	v1 =	vld.msk [tilespmem:s21+$0x0 ss:$0x1], vm1  }
0x7a: {  	v2 =	vmov s0;
	p2 =	slt.s32 s25, s23  }
0x7b: {  	vm1 =	vgt.u32 v2, v0  }
.Ltmp6:
0x7c: {  	(pc) =	sbr.rel @p2 .LBB2_6-.Ltmp6, $3  }
0x7d: {  	_ =	sdelay $0x1  }
0x7e: {  	v1 =	vshll.u32 v1, $0x4  }
0x7f: {  	s28 =	sadd.s32 $0xFFFFFFF0, s28;
	[tilespmem:s21+$0x0] =	vst.msk vm0, v1;
	s21 =	sadd.s32 $0x10, s21;
	vm0 =	vmmov vm1  }
.LBB2_7:
0x80: {  	_ =	sdelay $0x4  }
0x81: {  	v1 =	vld.msk [tilespmem:s21+$0x0 ss:$0x1], vm1;
	_ =	sdelay $0x4  }
0x82: {  	v1 =	vshll.u32 v1, $0x4  }
0x83: {  	[tilespmem:s21+$0x0] =	vst.msk vm0, v1  }
.LBB2_8:
0x84: {  	s0 =	sand.u32 $0x1, s18  }
0x85: {  	s0 =	smul.u32 $0xF0, s0  }
0x86: {  	p2 =	sne.s32 s26, $0xFFFFFFFF  }
0x87: {  	v1 =	vld.msk @!p2 [tilespmem:s0+$0x10508], $0x1;
	_ =	sdelay $0x4  }
0x88: {  	(v2sf) =	vpush @!p2 v1, $0x0;
	_ =	sdelay $0xc  }
.Ltmp7:
0x89: {  	_ = 	snop;
	(pc) =	sbr.rel @p1 .LBB2_19-.Ltmp7, $4  }
0x8a: {  	_ = 	snop  }
0x8b: {  	s25 =	spop @!p2 (v2sf)  }
0x8c: {  	s19 =	simm.s32 @!p2 $0x0;
	s21 =	smov.u32 s25  }
0x8d: {  	[sflag:s15] =	ssyncpa.u1 $0x0;
	s25 =	smov.u32 @p2 s24;
	s21 =	smov.u32 @p2 s26  }
0x8e: {  	v1 =	vld.msk [tilespmem:s20+$0x0], $0x1;
	_ =	sdelay $0x4  }
0x8f: {  	(v2sf) =	vpush v1, $0x0;
	_ =	sdelay $0xe  }
0x90: {  	s0 =	smul.u32 $0x1E000, s22;
	s29 =	spop (v2sf)  }
0x91: {  	s23 =	ssub.s32 $0x0, s23;
	p1 =	seq.s32 s25, s29  }
0x92: {  	s26 =	sadd.s32 $0x1, s23;
	s0 =	sshrl.u32 s0, $0x2;
	p2 =	sgt.s32 @!p1 s25, $0x0  }
0x93: {  	s22 =	sor.u32 $0x10728, s0;
	s0 =	smov.u32 s25;
	p2 =	por !p2, p1  }
0x94: {  	s0 =	simm.s32 @p2 $0x0;
	p2 =	seq.s32 s26, $0x0  }
.Ltmp8:
0x95: {  	_ = 	snop;
	(pc) =	sbr.rel @p2 .LBB2_11-.Ltmp8, $4  }
0x96: {  	_ = 	snop  }
0x97: {  	s24 =	simm.s32 $0x0;
	s28 =	sadd.s32 $0x1, s20;
	s0 =	smin.u32 @!p1 s0, $0xC34F0  }
0x98: {  	s30 =	simm.s32 @!p1 $0x1;
	s31 =	simm.s32 @!p1 $0x7988;
	s2 =	sand.u32 @!p1 $0xFFFF8, s0  }
0x99: {  	s30 =	smov.u32 @p1 s24;
	s0 =	sand.u32 @!p1 $0x7, s0;
	s2 =	sadd.s32 @!p1 s1, s2  }
.LBB2_10:
0x9a: {  	s8 =	smov.u32 s30  }
0x9b: {  	[tilespmem:s31], [sflag:$0x2] =	stream.linear.gather @!p1 [hbm4b:s2+s0], $0x80, $0x38;
	[tilespmem:$0x1F6E8] =	vst v63  }
0x9c: {  	s26 =	sadd.s32 $0x1, s26;
	s0 =	smov.u32 s29;
	v1 =	vld.msk [tilespmem:s28+$0x0], $0x1  }
0x9d: {  	p2 =	seq.s32 s26, $0x0;
	_ =	sdelay $0x3  }
0x9e: {  	(v2sf) =	vpush v1, $0x0;
	_ =	sdelay $0xe  }
0x9f: {  	s29 =	spop (v2sf)  }
0xa0: {  	p1 =	seq.s32 s0, s29  }
0xa1: {  	p3 =	sgt.s32 @!p1 s0, $0x0;
	s2 =	sshll.u32 @!p1 s30, $0x9;
	s30 =	sadd.s32 @!p1 $0x1, s30  }
.Ltmp9:
0xa2: {  	p3 =	por !p3, p1;
	s2 =	sshra.s32 @!p1 s2, $0x2;
	(pc) =	sbr.rel @!p2 .LBB2_10-.Ltmp9, $4  }
0xa3: {  	s30 =	smov.u32 @p1 s8;
	s0 =	simm.s32 @p3 $0x0;
	s31 =	sadd.s32 @!p1 $0x7988, s2  }
0xa4: {  	s0 =	smin.u32 @!p1 s0, $0xC34F0  }
0xa5: {  	s2 =	sand.u32 @!p1 $0xFFFF8, s0;
	s0 =	sand.u32 @!p1 $0x7, s0  }
0xa6: {  	s28 =	sadd.s32 $0x1, s28;
	s2 =	sadd.s32 @!p1 s1, s2  }
.LBB2_11:
0xa7: {  	[tilespmem:s31], [sflag:$0x2] =	stream.linear.gather @!p1 [hbm4b:s2+s0], $0x80, $0x38;
	[tilespmem:$0x1F6E8] =	vst v63  }
.Ltmp10:
0xa8: {  	s30 =	sshll.u32 s30, $0x7;
	(pc) =	sbr.rel .LBB2_12-.Ltmp10, $4  }
0xa9: {  	s31 =	simm.s32 $0x2;
	s0 =	sand.u32 $0x3FFFFF80, s30  }
0xaa: {  	_ =	swait.ge [sflag:s31], s0  }
0xab: {  	s0 =	ssub.s32 $0x0, s0;
	[sflag:s31] =	ssyncset.done $0x0  }
0xac: {  	s28 =	simm.s32 $0x0;
	[sflag:s31] =	ssyncadd.s32 s0  }
.LBB2_13:
0xad: {  	v1 =	vld [tilespmem:s22+$0xFFFFFFC0];
	_ =	sdelay $0x3  }
0xae: {  	s0 =	sshra.s32 s0, $0x2  }
0xaf: {  	[tilespmem:s0+$0x108] =	vst.add.f32.msk $0xffff, v1  }
0xb0: {  	v1 =	vld [tilespmem:s22+$0xFFFFFFD0];
	_ =	sdelay $0x4  }
0xb1: {  	[tilespmem:s0+$0x118] =	vst.add.f32.msk $0xffff, v1  }
0xb2: {  	v1 =	vld [tilespmem:s22+$0xFFFFFFE0];
	_ =	sdelay $0x4  }
0xb3: {  	[tilespmem:s0+$0x128] =	vst.add.f32.msk $0xffff, v1  }
0xb4: {  	v1 =	vld [tilespmem:s22+$0xFFFFFFF0];
	_ =	sdelay $0x4  }
0xb5: {  	[tilespmem:s0+$0x138] =	vst.add.f32.msk $0xffff, v1  }
0xb6: {  	v1 =	vld [tilespmem:s22+$0x0];
	_ =	sdelay $0x4  }
0xb7: {  	[tilespmem:s0+$0x148] =	vst.add.f32.msk $0xffff, v1  }
0xb8: {  	v1 =	vld [tilespmem:s22+$0x10];
	_ =	sdelay $0x4  }
0xb9: {  	[tilespmem:s0+$0x158] =	vst.add.f32.msk $0xffff, v1  }
0xba: {  	v1 =	vld [tilespmem:s22+$0x20];
	_ =	sdelay $0x4  }
0xbb: {  	[tilespmem:s0+$0x168] =	vst.add.f32.msk $0xffff, v1  }
0xbc: {  	v1 =	vld [tilespmem:s22+$0x30];
	_ =	sdelay $0x4  }
0xbd: {  	[tilespmem:s0+$0x178] =	vst.add.f32.msk $0xffff, v1  }
.LBB2_17:
0xbe: {  	s23 =	sadd.s32 $0x1, s23  }
0xbf: {  	p1 =	seq.s32 s23, $0x0  }
.Ltmp11:
0xc0: {  	_ = 	snop;
	(pc) =	sbr.rel @p1 .LBB2_18-.Ltmp11, $2  }
0xc1: {  	_ =	sdelay $0x2  }
0xc2: {  	s20 =	sadd.s32 $0x1, s20;
	s22 =	sadd.s32 $0x80, s22;
	s25 =	smov.u32 s26  }
.LBB2_12:
0xc3: {  	v1 =	vld.msk [tilespmem:s20+$0x0], $0x1;
	_ =	sdelay $0x4  }
0xc4: {  	(v2sf) =	vpush v1, $0x0;
	_ =	sdelay $0xe  }
0xc5: {  	s26 =	spop (v2sf)  }
0xc6: {  	p1 =	sne.s32 s25, s26  }
.Ltmp12:
0xc7: {  	_ = 	snop;
	(pc) =	sbr.rel @!p1 .LBB2_13-.Ltmp12, $2  }
0xc8: {  	_ =	sdelay $0x2  }
0xc9: {  	s0 =	sshll.u32 s19, $0x9  }
0xca: {  	p1 =	seq.s32 s25, s21  }
.Ltmp13:
0xcb: {  	_ = 	snop;
	(pc) =	sbr.rel @!p1 .LBB2_15-.Ltmp13, $1  }
0xcc: {  	_ =	sdelay $0x3  }
0xcd: {  	s0 =	sshra.s32 s0, $0x2  }
.Ltmp14:
0xce: {  	s0 =	sadd.s32 $0x108, s0;
	(pc) =	sbr.rel .LBB2_16-.Ltmp14, $4  }
0xcf: {  	[spmem:s13] =	stream.linear.scatter [tilespmem:s0], [sflag:$0x1], $0x80, $0x38;
	[tilespmem:$0x1F6E8] =	vst v63  }
0xd0: {  	_ =	swait.ge [sflag:s11], $0x80  }
0xd1: {  	[sflag:s11] =	ssyncset.done $0x0  }
0xd2: {  	[sflag:s11] =	ssyncadd.s32 $0xFFFFFF80  }
.LBB2_15:
0xd3: {  	s2 =	sshll.u32 s24, $0x9  }
0xd4: {  	s2 =	sshra.s32 s2, $0x2  }
0xd5: {  	v1 =	vld [tilespmem:s2+$0x7988];
	_ =	sdelay $0x3  }
0xd6: {  	s0 =	sshra.s32 s0, $0x2  }
0xd7: {  	[tilespmem:s0+$0x108] =	vst.add.f32.msk $0xffff, v1  }
0xd8: {  	v1 =	vld [tilespmem:s2+$0x7998];
	_ =	sdelay $0x4  }
0xd9: {  	[tilespmem:s0+$0x118] =	vst.add.f32.msk $0xffff, v1  }
0xda: {  	v1 =	vld [tilespmem:s2+$0x79A8];
	_ =	sdelay $0x4  }
0xdb: {  	[tilespmem:s0+$0x128] =	vst.add.f32.msk $0xffff, v1  }
0xdc: {  	v1 =	vld [tilespmem:s2+$0x79B8];
	_ =	sdelay $0x4  }
0xdd: {  	[tilespmem:s0+$0x138] =	vst.add.f32.msk $0xffff, v1  }
0xde: {  	v1 =	vld [tilespmem:s2+$0x79C8];
	_ =	sdelay $0x4  }
0xdf: {  	[tilespmem:s0+$0x148] =	vst.add.f32.msk $0xffff, v1  }
0xe0: {  	v1 =	vld [tilespmem:s2+$0x79D8];
	_ =	sdelay $0x4  }
0xe1: {  	[tilespmem:s0+$0x158] =	vst.add.f32.msk $0xffff, v1  }
0xe2: {  	v1 =	vld [tilespmem:s2+$0x79E8];
	_ =	sdelay $0x4  }
0xe3: {  	[tilespmem:s0+$0x168] =	vst.add.f32.msk $0xffff, v1  }
0xe4: {  	v1 =	vld [tilespmem:s2+$0x79F8];
	_ =	sdelay $0x2  }
0xe5: {  	p1 =	sgt.u32 s25, $0xC34F0  }
0xe6: {  	s2 =	sand.u32 @!p1 $0xFFFF8, s25  }
0xe7: {  	s8 =	sadd.s32 $0x108, s0;
	[tilespmem:s0+$0x178] =	vst.add.f32.msk $0xffff, v1;
	s0 =	sadd.s32 @!p1 s1, s2;
	s2 =	sand.u32 @!p1 $0x7, s25  }
0xe8: {  	[hbm4b:s0+s2] =	stream.linear.scatter @!p1 [tilespmem:s8], [sflag:$0xA], $0x80, $0x38;
	[tilespmem:$0x1F6E8] =	vst v63  }
0xe9: {  	s0 =	simm.s32 $0x0  }
0xea: {  	s0 =	simm.s32 @!p1 $0x200  }
0xeb: {  	s28 =	sadd.s32 s0, s28  }
.LBB2_16:
0xec: {  	s0 =	sadd.s32 $0x1, s19  }
0xed: {  	s2 =	smulhi.u32 $0x88888889, s0;
	_ =	sdelay $0x1  }
0xee: {  	v1 =	vld [tilespmem:s22+$0xFFFFFFC0];
	s2 =	sshrl.u32 s2, $0x7  }
0xef: {  	s2 =	smul.u32 $0xF0, s2;
	_ =	sdelay $0x1  }
0xf0: {  	s19 =	ssub.s32 s0, s2  }
0xf1: {  	s0 =	sshll.u32 s19, $0x7  }
0xf2: {  	[tilespmem:s0+$0x108] =	vst v1  }
0xf3: {  	v1 =	vld [tilespmem:s22+$0xFFFFFFD0];
	_ =	sdelay $0x4  }
0xf4: {  	[tilespmem:s0+$0x118] =	vst v1  }
0xf5: {  	v1 =	vld [tilespmem:s22+$0xFFFFFFE0];
	_ =	sdelay $0x4  }
0xf6: {  	[tilespmem:s0+$0x128] =	vst v1  }
0xf7: {  	v1 =	vld [tilespmem:s22+$0xFFFFFFF0];
	_ =	sdelay $0x4  }
0xf8: {  	[tilespmem:s0+$0x138] =	vst v1  }
0xf9: {  	v1 =	vld [tilespmem:s22+$0x0];
	_ =	sdelay $0x4  }
0xfa: {  	[tilespmem:s0+$0x148] =	vst v1  }
0xfb: {  	v1 =	vld [tilespmem:s22+$0x10];
	_ =	sdelay $0x4  }
0xfc: {  	[tilespmem:s0+$0x158] =	vst v1  }
0xfd: {  	v1 =	vld [tilespmem:s22+$0x20];
	_ =	sdelay $0x4  }
0xfe: {  	[tilespmem:s0+$0x168] =	vst v1  }
0xff: {  	v1 =	vld [tilespmem:s22+$0x30]  }
.Ltmp15:
0x100: {  	_ = 	snop;
	(pc) =	sbr.rel .LBB2_17-.Ltmp15, $2  }
0x101: {  	_ =	sdelay $0x2  }
0x102: {  	s24 =	sadd.s32 $0x1, s24;
	[tilespmem:s0+$0x178] =	vst v1  }
.LBB2_19:
.Ltmp16:
0x103: {  	(pc) =	sbr.rel .LBB2_20-.Ltmp16, $4  }
0x104: {  	_ = 	snop  }
0x105: {  	s0 =	simm.s32 $0x2  }
0x106: {  	_ =	swait.ge [sflag:s0], $0x0  }
0x107: {  	s26 =	smov.u32 s25;
	[sflag:s0] =	ssyncset.done $0x0;
	s0 =	simm.s32 $0x0  }
.LBB2_22:
0x108: {  	_ =	sfence.sel $0x180000  }
0x109: {  	s0 =	simm.s32 $0x7;
	[bflag:$0x0] =	sbarrier.arrive $0xFFFF  }
0x10a: {  	s25 =	simm.s32 $0x8;
	[sflag:s0] =	ssyncpa.u1 $0x1  }
0x10b: {  	s26 =	simm.s32 $0x9;
	[sflag:s25] =	ssyncpa.u1 $0x1  }
0x10c: {  	s28 =	simm.s32 $0x2;
	[sflag:s26] =	ssyncpa.u1 $0x1  }
0x10d: {  	[sflag:s28] =	ssyncpa.u1 $0x1  }
0x10e: {  	v0 =	vld [tilespmem:$0xF208];
	_ =	sdelay $0x4  }
0x10f: {  	(v2sf) =	vpush v0, $0x0  }
0x110: {  	(v2sf) =	vpush v0, $0x1;
	_ =	sdelay $0x1  }
0x111: {  	(v2sf) =	vpush v0, $0x2;
	_ =	sdelay $0xb  }
0x112: {  	s0 =	spop (v2sf)  }
0x113: {  	s2 =	spop (v2sf)  }
0x114: {  	s3 =	smov.u32 s0;
	p0 =	sne.s32 s0, s2  }
0x115: {  	s4 =	spop (v2sf);
	s3 =	simm.s32 @!p0 $0xFFFFFFFF  }
0x116: {  	v2 =	vimm.s32 $0x1;
	v3 =	vlaneseq.u32;
	p0 =	seq.s32 s4, $0xFFFFFFFF;
	v1 =	vmov s3  }
0x117: {  	s7 =	stileid.u32;
	v0 =	vperm.xlane v0, v2;
	p1 =	sne.s32 @!p0 s0, s2;
	v1 =	vperm.xlane v1, v3  }
0x118: {  	vm0 =	vcmask $0x3F04;
	s6 =	simm.s32 $0xF208;
	s0 =	simm.s32 @!p0 $0x1;
	p1 =	por !p1, p0  }
0x119: {  	s3 =	sshll.u32 s7, $0x1;
	s2 =	sshll.u32 @!p0 s4, $0x9;
	s0 =	simm.s32 @p1 $0x0;
	v0 =	vsel vm0, v1, v0  }
0x11a: {  	s5 =	sor.u32 $0x1000, s3;
	s2 =	sshra.s32 @!p0 s2, $0x2;
	s0 =	sor.u32 @!p0 s0, s3;
	[tilespmem:$0xF208] =	vst v0  }
0x11b: {  	[spmem:s5] =	stream.linear.scatter [tilespmem:s6], [sflag:$0x1], $0x2, $0x38;
	[tilespmem:$0x1F6E8] =	vst v63  }
0x11c: {  	s2 =	sadd.s32 @!p0 $0x108, s2;
	s0 =	sshll.u32 @!p0 s0, $0x7  }
0x11d: {  	[spmem:s0] =	stream.linear.scatter @!p0 [tilespmem:s2], [sflag:$0x1], $0x80, $0x38;
	[tilespmem:$0x1F6E8] =	vst v63  }
0x11e: {  	s0 =	simm.s32 @!p0 $0x82  }
0x11f: {  	s3 =	simm.s32 $0x1;
	s0 =	simm.s32 @p0 $0x2  }
0x120: {  	_ =	swait.ge [sflag:s3], s0  }
0x121: {  	s0 =	ssub.s32 $0x0, s0;
	[sflag:s3] =	ssyncset.done $0x0  }
0x122: {  	[sflag:s3] =	ssyncadd.s32 s0  }
0x123: {  	_ =	sfence.stream.spmem  }
0x124: {  	s29 =	simm.s32 $0x3;
	[bflag:$0x0] =	sbarrier.arrive $0xFFFF  }
0x125: {  	s30 =	simm.s32 $0x4;
	[sflag:s29] =	ssyncpa.u1 $0x1  }
0x126: {  	s31 =	simm.s32 $0x3C;
	[sflag:s30] =	ssyncpa.u1 $0x1  }
0x127: {  	p0 =	sne.s32 s7, $0x0;
	[sflag:s31] =	ssyncpa.u1 $0x1  }
0x128: {  	_ =	sfence @p0  }
0x129: {  	[sflag:s3] =	ssyncpa.u1 @p0 $0x1  }
0x12a: {  	_ =	strace @p0 $0x9000004D  }
0x12b: {  	[bflag:$0x2] =	sbarrier.arrive @p0 $0xFFFF  }
0x12c: {  	_ =	shalt @p0  }
.LBB2_23:
0x12d: {  	_ =	sfence.stream.spmem;
	s0 =	simm.s32 $0x5  }
0x12e: {  	s2 =	simm.s32 $0x1000;
	s3 =	simm.s32 $0xF218;
	[sflag:s0] =	ssyncpa.u1 $0x0  }
0x12f: {  	[tilespmem:s3], [sflag:$0x5] =	stream.linear.gather [spmem:s2], $0x20, $0x38;
	[tilespmem:$0x1F6E8] =	vst v63  }
0x130: {  	s30 =	simm.s32 $0xF238;
	s2 =	simm.s32 $0x0  }
0x131: {  	[tilespmem:s30], [sflag:$0x5] =	stream.linear.gather [spmem:s2], $0x1000, $0x38;
	[tilespmem:$0x1F6E8] =	vst v63  }
.Ltmp17:
0x132: {  	_ = 	snop;
	(pc) =	sbr.rel .LBB2_24-.Ltmp17, $4  }
0x133: {  	_ =	swait.ge [sflag:s0], $0x1020  }
0x134: {  	[sflag:s0] =	ssyncset.done $0x0  }
0x135: {  	s31 =	simm.s32 $0x6;
	[sflag:s0] =	ssyncadd.s32 $0xFFFFEFE0  }
0x136: {  	s3 =	simm.s32 $0x0;
	[sflag:s31] =	ssyncpa.u1 $0x0  }
.LBB2_30:
0x137: {  	p0 =	slt.u32 s4, $0xC34F1  }
0x138: {  	s0 =	sand.u32 @p0 $0xFFFF8, s4  }
0x139: {  	s4 =	sand.u32 @p0 $0x7, s4;
	s5 =	simm.s32 @p0 $0xF188;
	s0 =	sadd.s32 @p0 s1, s0  }
0x13a: {  	[tilespmem:s5], [sflag:$0x6] =	stream.linear.gather @p0 [hbm4b:s0+s4], $0x80, $0x38;
	[tilespmem:$0x1F6E8] =	vst v63  }
0x13b: {  	s0 =	simm.s32 @p0 $0x6  }
0x13c: {  	_ =	swait.ge @p0 [sflag:s0], $0x80  }
0x13d: {  	[sflag:s0] =	ssyncset.done @p0 $0x0  }
0x13e: {  	[sflag:s0] =	ssyncadd.s32 @p0 $0xFFFFFF80  }
0x13f: {  	v1 =	vld @p0 [tilespmem:$0xF188];
	_ =	sdelay $0x2  }
0x140: {  	s0 =	sshll.u32 @p0 s3, $0x9  }
0x141: {  	s4 =	sshrl.u32 @p0 s0, $0x2  }
0x142: {  	[tilespmem:s4+$0xF238] =	vst.add.f32.msk @p0 $0xffff, v1  }
0x143: {  	v1 =	vld @p0 [tilespmem:$0xF198];
	_ =	sdelay $0x4  }
0x144: {  	[tilespmem:s4+$0xF248] =	vst.add.f32.msk @p0 $0xffff, v1  }
0x145: {  	v1 =	vld @p0 [tilespmem:$0xF1A8];
	_ =	sdelay $0x4  }
0x146: {  	[tilespmem:s4+$0xF258] =	vst.add.f32.msk @p0 $0xffff, v1  }
0x147: {  	v1 =	vld @p0 [tilespmem:$0xF1B8];
	_ =	sdelay $0x4  }
0x148: {  	[tilespmem:s4+$0xF268] =	vst.add.f32.msk @p0 $0xffff, v1  }
0x149: {  	v1 =	vld @p0 [tilespmem:$0xF1C8];
	_ =	sdelay $0x4  }
0x14a: {  	[tilespmem:s4+$0xF278] =	vst.add.f32.msk @p0 $0xffff, v1  }
0x14b: {  	v1 =	vld @p0 [tilespmem:$0xF1D8];
	_ =	sdelay $0x4  }
0x14c: {  	[tilespmem:s4+$0xF288] =	vst.add.f32.msk @p0 $0xffff, v1  }
0x14d: {  	v1 =	vld @p0 [tilespmem:$0xF1E8];
	_ =	sdelay $0x4  }
0x14e: {  	[tilespmem:s4+$0xF298] =	vst.add.f32.msk @p0 $0xffff, v1  }
0x14f: {  	v1 =	vld @p0 [tilespmem:$0xF1F8];
	_ =	sdelay $0x3  }
0x150: {  	s5 =	sshll.u32 @!p0 s3, $0x9  }
0x151: {  	s5 =	smov.u32 @p0 s0;
	[tilespmem:s4+$0xF2A8] =	vst.add.f32.msk @p0 $0xffff, v1  }
0x152: {  	s0 =	sshrl.u32 s5, $0x2;
	[tilespmem:s2+$0xF218] =	vst.msk $0x1, v0  }
0x153: {  	v0 =	vld [tilespmem:s0+$0xF238];
	_ =	sdelay $0x2  }
0x154: {  	s31 =	sshll.u32 s2, $0x9  }
0x155: {  	s4 =	sshra.s32 s31, $0x2  }
0x156: {  	[tilespmem:s4+$0xF238] =	vst v0  }
0x157: {  	v0 =	vld [tilespmem:s0+$0xF248];
	_ =	sdelay $0x4  }
0x158: {  	[tilespmem:s4+$0xF248] =	vst v0  }
0x159: {  	v0 =	vld [tilespmem:s0+$0xF258];
	_ =	sdelay $0x4  }
0x15a: {  	[tilespmem:s4+$0xF258] =	vst v0  }
0x15b: {  	v0 =	vld [tilespmem:s0+$0xF268];
	_ =	sdelay $0x4  }
0x15c: {  	[tilespmem:s4+$0xF268] =	vst v0  }
0x15d: {  	v0 =	vld [tilespmem:s0+$0xF278];
	_ =	sdelay $0x4  }
0x15e: {  	[tilespmem:s4+$0xF278] =	vst v0  }
0x15f: {  	v0 =	vld [tilespmem:s0+$0xF288];
	_ =	sdelay $0x4  }
0x160: {  	[tilespmem:s4+$0xF288] =	vst v0  }
0x161: {  	v0 =	vld [tilespmem:s0+$0xF298];
	_ =	sdelay $0x4  }
0x162: {  	[tilespmem:s4+$0xF298] =	vst v0  }
0x163: {  	v0 =	vld [tilespmem:s0+$0xF2A8];
	_ =	sdelay $0x4  }
0x164: {  	s2 =	sadd.s32 $0x1, s2;
	[tilespmem:s4+$0xF2A8] =	vst v0  }
.LBB2_31:
0x165: {  	s3 =	sadd.s32 $0x1, s3  }
0x166: {  	p0 =	sne.s32 s3, $0x20  }
.Ltmp18:
0x167: {  	_ = 	snop;
	(pc) =	sbr.rel @!p0 .LBB2_32-.Ltmp18, $1  }
0x168: {  	_ =	sdelay $0x3  }
.LBB2_24:
0x169: {  	v0 =	vld.msk [tilespmem:s3+$0xF218], $0x1;
	_ =	sdelay $0x4  }
0x16a: {  	(v2sf) =	vpush v0, $0x0;
	_ =	sdelay $0xe  }
0x16b: {  	s4 =	spop (v2sf)  }
0x16c: {  	p0 =	seq.s32 s4, $0xFFFFFFFF  }
.Ltmp19:
0x16d: {  	_ = 	snop;
	(pc) =	sbr.rel @p0 .LBB2_31-.Ltmp19, $1  }
0x16e: {  	_ =	sdelay $0x3  }
0x16f: {  	p0 =	slt.s32 s2, $0x1  }
.Ltmp20:
0x170: {  	_ = 	snop;
	(pc) =	sbr.rel @p0 .LBB2_30-.Ltmp20, $1  }
0x171: {  	_ =	sdelay $0x3  }
0x172: {  	s5 =	simm.s32 $0xF218;
	p0 =	por $0x0, $0x0  }
0x173: {  	v1 =	vld.msk @!p0 [tilespmem:s5+$0x0], $0x1;
	_ =	sdelay $0x4  }
0x174: {  	(v2sf) =	vpush @!p0 v1, $0x0;
	_ =	sdelay $0xd  }
0x175: {  	p2 =	sne.s32 s2, $0x1  }
.Ltmp21:
0x176: {  	s0 =	spop @!p0 (v2sf);
	(pc) =	sbr.rel @!p2 .LBB2_28-.Ltmp21, $4  }
0x177: {  	p1 =	seq.s32 @!p0 s4, s0  }
0x178: {  	s6 =	simm.s32 $0x0;
	p1 =	por !p1, p0  }
0x179: {  	s0 =	simm.s32 $0xFFFFFFFF;
	s6 =	simm.s32 @p1 $0xFFFFFFFF  }
0x17a: {  	s7 =	simm.s32 $0x1;
	s6 =	smov.u32 @p0 s0  }
.LBB2_27:
0x17b: {  	s0 =	smov.u32 s6;
	p0 =	sne.s32 s6, $0xFFFFFFFF  }
0x17c: {  	s5 =	sadd.s32 $0x1, s5;
	s6 =	smov.u32 s7;
	s7 =	sadd.s32 $0x1, s7  }
0x17d: {  	p1 =	sne.s32 s2, s7;
	v1 =	vld.msk @!p0 [tilespmem:s5+$0x0], $0x1;
	_ =	sdelay $0x4  }
0x17e: {  	(v2sf) =	vpush @!p0 v1, $0x0;
	_ =	sdelay $0xe  }
.Ltmp22:
0x17f: {  	s8 =	spop @!p0 (v2sf);
	(pc) =	sbr.rel @p1 .LBB2_27-.Ltmp22, $4  }
0x180: {  	p2 =	seq.s32 @!p0 s4, s8  }
0x181: {  	p2 =	por !p2, p0  }
0x182: {  	s6 =	simm.s32 @p2 $0xFFFFFFFF  }
0x183: {  	s6 =	smov.u32 @p0 s0  }
.LBB2_28:
0x184: {  	p0 =	seq.s32 s6, $0xFFFFFFFF  }
.Ltmp23:
0x185: {  	_ = 	snop;
	(pc) =	sbr.rel @p0 .LBB2_30-.Ltmp23, $1  }
0x186: {  	_ =	sdelay $0x3  }
0x187: {  	s0 =	sshll.u32 s3, $0x7  }
0x188: {  	s0 =	sand.u32 $0x3FFFFF80, s0  }
0x189: {  	v0 =	vld [tilespmem:s0+$0xF238];
	_ =	sdelay $0x2  }
0x18a: {  	s4 =	sshll.u32 s6, $0x9  }
0x18b: {  	s4 =	sshra.s32 s4, $0x2  }
0x18c: {  	[tilespmem:s4+$0xF238] =	vst.add.f32.msk $0xffff, v0  }
0x18d: {  	v0 =	vld [tilespmem:s0+$0xF248];
	_ =	sdelay $0x4  }
0x18e: {  	[tilespmem:s4+$0xF248] =	vst.add.f32.msk $0xffff, v0  }
0x18f: {  	v0 =	vld [tilespmem:s0+$0xF258];
	_ =	sdelay $0x4  }
0x190: {  	[tilespmem:s4+$0xF258] =	vst.add.f32.msk $0xffff, v0  }
0x191: {  	v0 =	vld [tilespmem:s0+$0xF268];
	_ =	sdelay $0x4  }
0x192: {  	[tilespmem:s4+$0xF268] =	vst.add.f32.msk $0xffff, v0  }
0x193: {  	v0 =	vld [tilespmem:s0+$0xF278];
	_ =	sdelay $0x4  }
0x194: {  	[tilespmem:s4+$0xF278] =	vst.add.f32.msk $0xffff, v0  }
0x195: {  	v0 =	vld [tilespmem:s0+$0xF288];
	_ =	sdelay $0x4  }
0x196: {  	[tilespmem:s4+$0xF288] =	vst.add.f32.msk $0xffff, v0  }
0x197: {  	v0 =	vld [tilespmem:s0+$0xF298];
	_ =	sdelay $0x4  }
0x198: {  	[tilespmem:s4+$0xF298] =	vst.add.f32.msk $0xffff, v0  }
0x199: {  	v0 =	vld [tilespmem:s0+$0xF2A8]  }
.Ltmp24:
0x19a: {  	_ = 	snop;
	(pc) =	sbr.rel .LBB2_31-.Ltmp24, $2  }
0x19b: {  	_ =	sdelay $0x2  }
0x19c: {  	[tilespmem:s4+$0xF2A8] =	vst.add.f32.msk $0xffff, v0  }
.LBB2_32:
0x19d: {  	p0 =	slt.s32 s2, $0x1  }
.Ltmp25:
0x19e: {  	_ = 	snop;
	(pc) =	sbr.rel @p0 .LBB2_36-.Ltmp25, $3  }
0x19f: {  	_ =	sdelay $0x1  }
0x1a0: {  	s0 =	simm.s32 $0x6  }
0x1a1: {  	s3 =	simm.s32 $0x0;
	[sflag:s0] =	ssyncpa.u1 $0x1  }
0x1a2: {  	s0 =	simm.s32 $0xF218  }
0x1a3: {  	v0 =	vld.msk [tilespmem:s0+$0x0], $0x1;
	_ =	sdelay $0x4  }
0x1a4: {  	(v2sf) =	vpush v0, $0x0;
	_ =	sdelay $0xd  }
0x1a5: {  	s2 =	sadd.s32 $0xFFFFFFFF, s2  }
0x1a6: {  	p1 =	sne.s32 s2, $0x0;
	s0 =	spop (v2sf)  }
.Ltmp26:
0x1a7: {  	p0 =	sgt.u32 s0, $0xC34F0;
	(pc) =	sbr.rel @!p1 .LBB2_35-.Ltmp26, $4  }
0x1a8: {  	s4 =	simm.s32 $0xF238;
	s5 =	sand.u32 @!p0 $0xFFFF8, s0  }
0x1a9: {  	s6 =	simm.s32 $0x0;
	s0 =	sand.u32 @!p0 $0x7, s0;
	s5 =	sadd.s32 @!p0 s1, s5  }
0x1aa: {  	[hbm4b:s5+s0] =	stream.linear.scatter @!p0 [tilespmem:s4], [sflag:$0x5], $0x80, $0x38;
	[tilespmem:$0x1F6E8] =	vst v63  }
0x1ab: {  	s6 =	simm.s32 @!p0 $0x200;
	s5 =	simm.s32 $0xF219  }
.LBB2_34:
0x1ac: {  	v0 =	vld.msk [tilespmem:s5+$0x0], $0x1;
	s2 =	sadd.s32 $0xFFFFFFFF, s2;
	s3 =	sadd.s32 s3, s6  }
0x1ad: {  	p0 =	sne.s32 s2, $0x0;
	_ =	sdelay $0x3  }
0x1ae: {  	(v2sf) =	vpush v0, $0x0;
	_ =	sdelay $0xe  }
.Ltmp27:
0x1af: {  	s0 =	spop (v2sf);
	(pc) =	sbr.rel @p0 .LBB2_34-.Ltmp27, $4  }
0x1b0: {  	s6 =	simm.s32 $0x0;
	p1 =	sgt.u32 s0, $0xC34F0  }
0x1b1: {  	s4 =	sadd.s32 $0x80, s4;
	s6 =	simm.s32 @!p1 $0x200;
	s7 =	sand.u32 @!p1 $0xFFFF8, s0  }
0x1b2: {  	s5 =	sadd.s32 $0x1, s5;
	s0 =	sand.u32 @!p1 $0x7, s0;
	s7 =	sadd.s32 @!p1 s1, s7  }
0x1b3: {  	[hbm4b:s7+s0] =	stream.linear.scatter @!p1 [tilespmem:s4], [sflag:$0x5], $0x80, $0x38;
	[tilespmem:$0x1F6E8] =	vst v63  }
.LBB2_35:
0x1b4: {  	s0 =	sadd.s32 s3, s6  }
0x1b5: {  	s3 =	sshrl.u32 s0, $0x2  }
.LBB2_36:
0x1b6: {  	s0 =	simm.s32 $0x5  }
0x1b7: {  	_ =	swait.ge [sflag:s0], s3  }
0x1b8: {  	s1 =	ssub.s32 $0x0, s3;
	[sflag:s0] =	ssyncset.done $0x0  }
0x1b9: {  	[sflag:s0] =	ssyncadd.s32 s1  }
0x1ba: {  	[sflag:s0] =	ssyncpa.u1 $0x1  }
0x1bb: {  	s30 =	simm.s32 $0x1;
	_ =	sfence  }
0x1bc: {  	[sflag:s30] =	ssyncpa.u1 $0x1  }
0x1bd: {  	_ =	strace $0x9000004D  }
0x1be: {  	[bflag:$0x2] =	sbarrier.arrive $0xFFFF  }
0x1bf: {  	s31 =	rddreg [dreg:$0x1]  }
0x1c0: {  	s0 =	sadd.s32 $0x100000, s31  }
0x1c1: {  	[sflag:s0] =	ssyncadd.tile.s32 $0x1;
	_ =	shalt  }
.Lfunc_end2:
_tile_overlayer_lowered:
.L_overlay_start_2:
0x1c2: {  	(tag) =	ssettag $0x2  }
0x1c3: {  	s0 =	rddreg [dreg:$0x0];
	s2 =	stileid.u32  }
0x1c4: {  	s1 =	rddreg [dreg:$0x1];
	p0 =	sne.s32 s2, $0x0  }
0x1c5: {  	s3 =	rddreg [dreg:$0x2];
	[bflag:$0x3] =	sbarrier.arrive $0xFFFF;
	s2 =	simm.s32 @!p0 $0x1C01  }
0x1c6: {  	[timem:s3], [sflag:s2] =	dma.local @!p0 [hbm:s0], s1  }
0x1c7: {  	s0 =	simm.s32 @!p0 $0x1  }
0x1c8: {  	_ =	swait.ge @!p0 [sflag:s0], s1  }
0x1c9: {  	s1 =	ssub.s32 @!p0 $0x0, s1;
	[sflag:s0] =	ssyncset.done @!p0 $0x0  }
0x1ca: {  	[sflag:s0] =	ssyncadd.s32 @!p0 s1  }
0x1cb: {  	[bflag:$0x3] =	sbarrier.arrive $0xFFFF  }
0x1cc: {  	_ =	shalt  }

// kernel: scatter_offload_async_start.3
scs
__scs_entry_jumppad:
0x0: {  	(pc) =	sbr.rel $0x88, $3  }
0x1: {  	(tag) =	ssettag $0x0;
	lr =	simm.s32 $0x1  }
0x2: {  	[smem:$0x3F8B] =	sst lr;
	_ =	strace $0xD0000000  }
0x3: {  	_ = 	snop  }
0x4: {  	_ = 	snop  }
0x5: {  	_ = 	snop  }
0x6: {  	_ = 	snop  }
0x7: {  	_ = 	snop  }
__scs_overlays_trampoline_lowered:
0x8: {  	[smem:$0x3F9A] =	sst s0  }
0x9: {  	[smem:$0x3F9B] =	sst s1  }
0xa: {  	[smem:$0x3F9C] =	sst s2  }
0xb: {  	[smem:$0x3F9D] =	sst s3  }
0xc: {  	[smem:$0x3F9E] =	sst s4  }
0xd: {  	[smem:$0x3F9F] =	sst s5  }
0xe: {  	[smem:$0x3FA0] =	sst s6  }
0xf: {  	[smem:$0x3FA1] =	sst s7  }
0x10: {  	[smem:$0x3FA2] =	sst s8  }
0x11: {  	[smem:$0x3FA3] =	sst s9;
	s0 =	simm.s32 @!p0 $0x0  }
0x12: {  	s1 =	sld [smem:$0x3F89];
	s0 =	simm.s32 @p0 $0x1  }
0x13: {  	[smem:$0x3FA4] =	sst s0;
	s0 =	simm.s32 @!p1 $0x0  }
0x14: {  	s2 =	sld [smem:$0x3F88];
	s0 =	simm.s32 @p1 $0x1  }
0x15: {  	[smem:$0x3FA5] =	sst s0;
	s0 =	simm.s32 @!p2 $0x0  }
0x16: {  	s3 =	sld [smem:$0x3FDB];
	s0 =	simm.s32 @p2 $0x1  }
0x17: {  	s4 =	simm.s32 $0x1BF5;
	[smem:$0x3FA7] =	sst s0  }
0x18: {  	s0 =	sld [smem:$0x3F8A];
	_ =	swait.ge [sflag:s4], $0x0  }
0x19: {  	s7 =	sld [smem:$0x3F8B]  }
0x1a: {  	s8 =	sadd.s32 $0xFFFFE003, lr  }
0x1b: {  	s9 =	sadd.s32 $0xFFFFFEF7, lr;
	s5 =	simm.s32 $0xFFFFFFFF;
	p2 =	slt.u32 s8, $0xFFFFF086  }
0x1c: {  	p1 =	slt.u32 s9, $0xF7A;
	s5 =	simm.s32 @!p2 $0x0  }
0x1d: {  	s5 =	simm.s32 @p1 $0x1;
	p0 =	seq.s32 s7, s2  }
0x1e: {  	s7 =	smul.u32 @!p0 $0xF7A, s2;
	p2 =	seq.s32 @!p0 s5, $0x0  }
0x1f: {  	s9 =	smul.u32 $0xF7A, s1;
	s8 =	simm.s32 @!p0 $0x1BF5;
	p2 =	por !p2, p0  }
0x20: {  	[sflag:s8] =	ssyncset.s32 @!p0 $0xFFFFF086;
	s6 =	sadd.s32 @!p0 s3, s7;
	s7 =	simm.s32 @!p0 $0x108  }
0x21: {  	s3 =	sadd.s32 s3, s9;
	s6 =	sadd.s32 @!p0 $0x88, s6;
	s7 =	simm.s32 @p2 $0x1082  }
0x22: {  	[simem:s7], [sflag:s8] =	dma.local @!p0 [hbm:s6], $0xF7A  }
0x23: {  	s9 =	sor.u32 $0xD0000000, s2;
	s6 =	simm.s32 $0x108;
	_ =	swait.ge @!p0 [sflag:s8], $0x0  }
0x24: {  	s3 =	sadd.s32 $0x88, s3;
	s6 =	simm.s32 @!p1 $0x1082;
	[sflag:s4] =	ssyncset.s32 $0xFFFFF086  }
0x25: {  	[simem:s6], [sflag:s4] =	dma.local [hbm:s3], $0xF7A  }
0x26: {  	[smem:$0x3F8B] =	sst s1;
	(tag) =	ssettag s2;
	_ =	strace s9  }
0x27: {  	s1 =	sld [smem:$0x3F9B]  }
0x28: {  	s2 =	sld [smem:$0x3F9C]  }
0x29: {  	s4 =	sld [smem:$0x3F9E]  }
0x2a: {  	p0 =	seq.s32 s5, $0x0;
	s5 =	sld [smem:$0x3F9F]  }
0x2b: {  	s6 =	sld [smem:$0x3FA0]  }
0x2c: {  	s7 =	sld [smem:$0x3FA1]  }
0x2d: {  	s3 =	simm.s32 $0x108;
	s8 =	sld [smem:$0x3FA2]  }
0x2e: {  	s3 =	simm.s32 @!p0 $0x1082;
	s9 =	sld [smem:$0x3FA3]  }
0x2f: {  	lr =	sadd.s32 s0, s3;
	s0 =	sld [smem:$0x3F9A]  }
0x30: {  	s3 =	sld [smem:$0x3F9D]  }
0x31: {  	[smem:$0x3FA6] =	sst s10  }
0x32: {  	s10 =	sld [smem:$0x3FA4];
	_ =	sdelay $0x3  }
0x33: {  	p0 =	seq.s32 s10, $0x1;
	s10 =	sld [smem:$0x3FA6];
	_ =	sdelay $0x3  }
0x34: {  	[smem:$0x3FA6] =	sst s10  }
0x35: {  	s10 =	sld [smem:$0x3FA5];
	_ =	sdelay $0x3  }
0x36: {  	p1 =	seq.s32 s10, $0x1;
	s10 =	sld [smem:$0x3FA6];
	_ =	sdelay $0x3  }
0x37: {  	[smem:$0x3FA6] =	sst s10  }
0x38: {  	s10 =	sld [smem:$0x3FA7]  }
0x39: {  	_ = 	snop;
	(pc) =	sbr.ind lr, $3  }
0x3a: {  	_ = 	snop  }
0x3b: {  	_ = 	snop  }
0x3c: {  	p2 =	seq.s32 s10, $0x1;
	s10 =	sld [smem:$0x3FA6]  }
0x3d: {  	_ =	shalt  }
0x3e: {  	_ =	shalt  }
0x3f: {  	_ =	shalt  }
0x40: {  	_ =	shalt  }
0x41: {  	_ =	shalt  }
0x42: {  	_ =	shalt  }
0x43: {  	_ =	shalt  }
0x44: {  	_ =	shalt  }
0x45: {  	_ =	shalt  }
0x46: {  	_ =	shalt  }
0x47: {  	_ =	shalt  }
0x48: {  	_ =	shalt  }
0x49: {  	_ =	shalt  }
0x4a: {  	_ =	shalt  }
0x4b: {  	_ =	shalt  }
0x4c: {  	_ =	shalt  }
0x4d: {  	_ =	shalt  }
0x4e: {  	_ =	shalt  }
0x4f: {  	_ =	shalt  }
0x50: {  	_ =	shalt  }
0x51: {  	_ =	shalt  }
0x52: {  	_ =	shalt  }
0x53: {  	_ =	shalt  }
0x54: {  	_ =	shalt  }
0x55: {  	_ =	shalt  }
0x56: {  	_ =	shalt  }
0x57: {  	_ =	shalt  }
0x58: {  	_ =	shalt  }
0x59: {  	_ =	shalt  }
0x5a: {  	_ =	shalt  }
0x5b: {  	_ =	shalt  }
0x5c: {  	_ =	shalt  }
0x5d: {  	_ =	shalt  }
0x5e: {  	_ =	shalt  }
0x5f: {  	_ =	shalt  }
0x60: {  	_ =	shalt  }
0x61: {  	_ =	shalt  }
0x62: {  	_ =	shalt  }
0x63: {  	_ =	shalt  }
0x64: {  	_ =	shalt  }
0x65: {  	_ =	shalt  }
0x66: {  	_ =	shalt  }
0x67: {  	_ =	shalt  }
0x68: {  	_ =	shalt  }
0x69: {  	_ =	shalt  }
0x6a: {  	_ =	shalt  }
0x6b: {  	_ =	shalt  }
0x6c: {  	_ =	shalt  }
0x6d: {  	_ =	shalt  }
0x6e: {  	_ =	shalt  }
0x6f: {  	_ =	shalt  }
0x70: {  	_ =	shalt  }
0x71: {  	_ =	shalt  }
0x72: {  	_ =	shalt  }
0x73: {  	_ =	shalt  }
0x74: {  	_ =	shalt  }
0x75: {  	_ =	shalt  }
0x76: {  	_ =	shalt  }
0x77: {  	_ =	shalt  }
0x78: {  	_ =	shalt  }
0x79: {  	_ =	shalt  }
0x7a: {  	_ =	shalt  }
0x7b: {  	_ =	shalt  }
0x7c: {  	_ =	shalt  }
0x7d: {  	_ =	shalt  }
0x7e: {  	_ =	shalt  }
0x7f: {  	_ =	shalt  }
0x80: {  	_ =	shalt  }
0x81: {  	_ =	shalt  }
0x82: {  	_ =	shalt  }
0x83: {  	_ =	shalt  }
0x84: {  	_ =	shalt  }
0x85: {  	_ =	shalt  }
0x86: {  	_ =	shalt  }
0x87: {  	_ =	shalt  }
.Lfunc_end0:
.L_simem_size_0:
called_computation.3_lowered:
.L_overlay_start_0:
0x88: {  	s0 =	sld [smem:$0x3FD9]  }
0x89: {  	s1 =	sld [smem:$0x3FFE];
	_ =	sdelay $0x3  }
0x8a: {  	s0 =	sadd.s32 s1, s0  }
0x8b: {  	[smem:$0x3FB2] =	sst s0  }
0x8c: {  	_ = 	snop  }
0x8d: {  	(tm) =	ssettm $0x1  }
0x8e: {  	s15 =	sld [smem:$0x3FFB];
	_ =	sdelay $0x3  }
0x8f: {  	_ =	strace s15  }
0x90: {  	s0 =	sld [smem:$0x3FFC];
	_ =	sdelay $0x3  }
0x91: {  	_ =	strace s0  }
0x92: {  	s0 =	sld [smem:$0x3FFD];
	_ =	sdelay $0x3  }
0x93: {  	_ =	strace s0  }
0x94: {  	_ =	strace $0x8FFFFFFF  }
0x95: {  	s16 =	sld [smem:$0x3FDB];
	_ =	sdelay $0x1  }
0x96: {  	s17 =	simm.s32 $_scs_section_size  }
0x97: {  	s2 =	simm.s32 $_size__tile_overlayer_lowered;
	s3 =	simm.s32 $_tile_overlayer_lowered  }
0x98: {  	s20 =	simm.s32 $0x1BFF;
	s19 =	sshll.u32 s3, $0x1;
	s0 =	sadd.s32 s17, s16  }
0x99: {  	s4 =	simm.s32 $0x0;
	s18 =	sshll.u32 s2, $0x1;
	s2 =	sadd.s32 s19, s0  }
0x9a: {  	[timem:s4], [sflag:s20] =	dma.local [hbm:s2], s18  }
0x9b: {  	_ =	swait.ge [sflag:s20], s18  }
0x9c: {  	s1 =	ssub.s32 $0x0, s18;
	[sflag:s20] =	ssyncset.done $0x0  }
0x9d: {  	[sflag:s20] =	ssyncadd.s32 s1;
	_ =	sdelay $0x1  }
0x9e: {  	s21 =	simm.s32 $0x1B8B  }
0x9f: {  	_ =	swait.ge [sflag:s21], $0x1  }
0xa0: {  	[sflag:s21] =	ssyncset.done $0x0  }
0xa1: {  	s23 =	simm.s32 $0x1B8E;
	s22 =	sld [smem:$0x3FFE];
	[sflag:s21] =	ssyncadd.s32 $0xFFFFFFFF  }
0xa2: {  	s24 =	simm.s32 $execute0_lowered;
	[smem:$0x3FD2] =	sst s23  }
0xa3: {  	s2 =	sshll.u32 s24, $0x1;
	_ =	strace $0x8000004F;
	[dreg:$0x1] =	wrdreg $0xFFFFFFFF  }
0xa4: {  	s25 =	simm.s32 $_size_execute0_lowered;
	s0 =	sadd.s32 s0, s2;
	[dreg:$0x0] =	wrdreg $0x0  }
0xa5: {  	s2 =	sshll.u32 s25, $0x1;
	[dreg:$0x2] =	wrdreg s0  }
0xa6: {  	[dreg:$0x3] =	wrdreg s2  }
0xa7: {  	[dreg:$0x4] =	wrdreg $0xC0  }
0xa8: {  	_ =	task [dreg:s4], $0x5FFFF  }
0xa9: {  	[dreg:$0x1] =	wrdreg $0xFFFFFFFF  }
0xaa: {  	[dreg:$0x0] =	wrdreg $0x60  }
0xab: {  	[dreg:$0x2] =	wrdreg s22  }
0xac: {  	[dreg:$0x3] =	wrdreg $0x9  }
0xad: {  	_ =	task.clear_ibuf [dreg:s4], $0x4FFFF;
	_ =	strace $0x9000004F  }
0xae: {  	s26 =	simm.s32 $0x9;
	_ =	strace $0x80000051  }
0xaf: {  	_ =	swait.ge [sflag:s26], $0x1  }
0xb0: {  	[sflag:s26] =	ssyncadd.s32 $0xFFFFFFFF  }
0xb1: {  	_ =	strace $0x90000051  }
0xb2: {  	_ =	sfence  }
0xb3: {  	s28 =	sld [smem:$0x0];
	_ =	sdelay $0x1  }
0xb4: {  	s29 =	srdreg.scid  }
0xb5: {  	s30 =	sshll.u32 s29, $0xD;
	s31 =	sshrl.u32 s29, $0x2  }
0xb6: {  	s1 =	sand.u32 $0x1, s29;
	s2 =	sand.u32 $0x4000, s30;
	s0 =	sadd.s32 s31, s28  }
0xb7: {  	s1 =	sor.u32 s2, s1;
	s0 =	sshll.u32 s0, $0x11  }
0xb8: {  	s0 =	sor.u32 s0, s1  }
0xb9: {  	s0 =	sadd.s32 $0x8F2B, s0  }
0xba: {  	[sflag:s0] =	ssyncadd.remote.s32 $0x1  }
0xbb: {  	_ =	sfence.sel $0xFFFF  }
0xbc: {  	[dreg:$0x0] =	wrdreg $0xFFFFFFFF;
	(pc) =	sbr.abs _section_cstart, $3  }
0xbd: {  	[dreg:$0x1] =	wrdreg $0xFFFFFFFF  }
0xbe: {  	_ =	task.clear_ibuf [dreg:s4], $0x2FFFF;
	_ =	strace $0x9FFFFFFF  }
0xbf: {  	(tm) =	ssettm $0x7FFFFFFF  }
tec
execute0_lowered:
.L_overlay_start_1:
0x0: {  	(tag) =	ssettag $0x1  }
0x1: {  	s0 =	rddreg [dreg:$0x0];
	_ =	strace $0x80000050;
	s1 =	simm.s32 $0x1  }
0x2: {  	s8 =	simm.s32 $0x108;
	v0 =	vimm.s32 $0x0;
	[sflag:s1] =	ssyncpa.u1 $0x0  }
0x3: {  	[tilespmem:s8+$0x70] =	vst v0  }
0x4: {  	[tilespmem:s8+$0x60] =	vst v0  }
0x5: {  	[tilespmem:s8+$0x50] =	vst v0  }
0x6: {  	[tilespmem:s8+$0x40] =	vst v0  }
0x7: {  	[tilespmem:s8+$0x30] =	vst v0  }
0x8: {  	s2 =	simm.s32 $0x40;
	s1 =	sadd.s32 $0xD96000, s0;
	[tilespmem:s8+$0x20] =	vst v0  }
0x9: {  	s3 =	sadd.s32 $0x69A00, s0;
	s4 =	sadd.s32 $0x9DA00, s0;
	s5 =	sadd.s32 $0x83A00, s0;
	[tilespmem:s8+$0x10] =	vst v0  }
.LBB2_1:
0xa: {  	s2 =	sadd.s32 $0x40, s2;
	[tilespmem:s8+$0x0] =	vst v0;
	s8 =	sadd.s32 $0x80, s8  }
0xb: {  	p0 =	slt.u32 s2, $0x3C40;
	[tilespmem:s8+$0x70] =	vst v0  }
0xc: {  	[tilespmem:s8+$0x60] =	vst v0  }
.Ltmp0:
0xd: {  	[tilespmem:s8+$0x50] =	vst v0;
	(pc) =	sbr.rel @p0 .LBB2_1-.Ltmp0, $4  }
0xe: {  	[tilespmem:s8+$0x40] =	vst v0  }
0xf: {  	[tilespmem:s8+$0x30] =	vst v0  }
0x10: {  	[tilespmem:s8+$0x20] =	vst v0  }
0x11: {  	[tilespmem:s8+$0x10] =	vst v0  }
0x12: {  	s13 =	stileid.u32  }
0x13: {  	s0 =	smul.u32 $0xDD, s13  }
0x14: {  	s2 =	smin.u32 s13, $0x6  }
0x15: {  	s0 =	sadd.s32 s2, s0  }
0x16: {  	p0 =	slt.u32 s13, $0x6;
	s6 =	smul.u32 $0xF0, s0;
	s0 =	simm.s32 $0xD020  }
0x17: {  	s0 =	simm.s32 @!p0 $0xCF30  }
0x18: {  	s0 =	sadd.s32 s0, s6  }
0x19: {  	s7 =	smin.u32 s0, $0xCF850  }
0x1a: {  	s0 =	ssub.s32 s7, s6  }
0x1b: {  	p0 =	sgt.s32 s0, $0x0  }
0x1c: {  	s0 =	simm.s32 @!p0 $0x0  }
0x1d: {  	s31 =	smulhi.u32 $0x88888889, s0  }
0x1e: {  	s30 =	simm.s32 $0x2;
	s9 =	simm.s32 $0x7;
	s10 =	simm.s32 $0x8  }
0x1f: {  	s19 =	simm.s32 $0x0;
	s15 =	simm.s32 $0xA;
	s2 =	sshrl.u32 s31, $0x7  }
0x20: {  	s17 =	simm.s32 $0x0;
	s18 =	simm.s32 $0x0;
	s11 =	smul.u32 $0xF0, s2  }
.Ltmp1:
0x21: {  	[tilespmem:s8+$0x0] =	vst v0;
	v0 =	vimm.s32 $0xFFFFFFFF;
	[sflag:s30] =	ssyncpa.u1 $0x0;
	s13 =	sshll.u32 s13, $0x8;
	(pc) =	sbr.rel .LBB2_3-.Ltmp1, $4  }
0x22: {  	[tilespmem:$0xF208] =	vst v0;
	[sflag:s9] =	ssyncpa.u1 $0x0;
	p0 =	sne.s32 s0, s11;
	s0 =	simm.s32 $0x1  }
0x23: {  	[sflag:s10] =	ssyncpa.u1 $0x0;
	s10 =	simm.s32 $0x9;
	s0 =	simm.s32 @!p0 $0x0  }
0x24: {  	[sflag:s10] =	ssyncpa.u1 $0x0;
	s16 =	smov.u32 s6;
	s12 =	sadd.s32 s0, s2  }
0x25: {  	v0 =	vlaneseq.u32;
	s11 =	simm.s32 $0x1;
	p0 =	por $0x0, $0x0;
	s14 =	sadd.s32 $0x1, s12  }
.LBB2_18:
0x26: {  	s0 =	sshrl.u32 s28, $0x2  }
.LBB2_20:
0x27: {  	_ =	swait.ge [sflag:s15], s0  }
0x28: {  	s31 =	ssub.s32 $0x0, s0;
	v1 =	vmov s21;
	vm0 =	veq.s32 v0, $0x0;
	[sflag:s15] =	ssyncset.done $0x0  }
0x29: {  	vm15 =	veq.s32 v0, $0x2;
	v1 =	vsel vm0, s26, v1;
	[sflag:s15] =	ssyncadd.s32 s31  }
0x2a: {  	v1 =	vsel vm15, s19, v1;
	[sflag:s15] =	ssyncpa.u1 $0x1  }
0x2b: {  	[tilespmem:$0xF208] =	vst v1  }
.LBB2_21:
0x2c: {  	s0 =	sadd.s32 $0xF0, s16  }
0x2d: {  	s2 =	smov.u32 s6;
	p1 =	slt.s32 s0, s7  }
0x2e: {  	s2 =	smov.u32 @p1 s0;
	p1 =	sne.s32 s18, s14  }
.Ltmp2:
0x2f: {  	_ = 	snop;
	(pc) =	sbr.rel @!p1 .LBB2_22-.Ltmp2, $3  }
0x30: {  	_ =	sdelay $0x1  }
0x31: {  	s19 =	smov.u32 s17;
	s31 =	sadd.s32 $0x1, s18;
	s17 =	smov.u32 s16  }
0x32: {  	p0 =	por !p0, !p0;
	s18 =	smov.u32 s31;
	s16 =	smov.u32 s2  }
.LBB2_3:
0x33: {  	p1 =	sge.u32 s18, s12  }
0x34: {  	s0 =	smulhi.u32 @!p1 $0xAAAAAAAB, s18  }
0x35: {  	s2 =	smov.u32 s16;
	p2 =	sgt.s32 @!p1 s16, $0xCF760  }
0x36: {  	s20 =	sshra.s32 @!p1 s16, $0x1F;
	p2 =	por !p2, p1;
	s0 =	sshrl.u32 @!p1 s0, $0x1  }
0x37: {  	s20 =	sand.u32 @!p1 s20, s16;
	s2 =	simm.s32 @p2 $0xCF760;
	s0 =	smul.u32 @!p1 $0x3, s0  }
0x38: {  	s2 =	ssub.s32 @!p1 s2, s20  }
0x39: {  	s2 =	sadd.s32 @!p1 $0xFFF308A0, s2;
	s0 =	ssub.s32 @!p1 s18, s0  }
0x3a: {  	s20 =	sshll.u32 @!p1 s2, $0x2;
	p2 =	sgt.s32 @!p1 s2, $0xEF;
	s0 =	smul.u32 @!p1 $0x3C0, s0  }
0x3b: {  	s21 =	sand.u32 @!p1 $0x7, s16;
	s2 =	ssub.s32 @!p1 $0x3C0, s20;
	p2 =	por !p2, p1  }
0x3c: {  	s20 =	sshrl.u32 @!p1 s16, $0x3;
	s2 =	sshrl.u32 @!p1 s2, $0x2;
	s0 =	sshrl.u32 @!p1 s0, $0x2  }
0x3d: {  	s20 =	sadd.s32 @!p1 s5, s20;
	s2 =	simm.s32 @!p2 $0x0;
	s0 =	sadd.s32 @!p1 $0x10238, s0  }
0x3e: {  	[tilespmem:s0], [sflag:$0x8] =	stream.linear.gather @!p1 [hbm4b:s20+s21], s2, $0x38;
	[tilespmem:$0x1F6E8] =	vst v63  }
0x3f: {  	s0 =	sadd.s32 $0xFFFFFFFF, s18  }
0x40: {  	p1 =	sge.u32 s0, s12  }
0x41: {  	p2 =	sgt.s32 @!p1 s17, $0xCF760  }
0x42: {  	s2 =	smov.u32 s17;
	s20 =	sshra.s32 @!p1 s17, $0x1F;
	p2 =	por !p2, p1  }
0x43: {  	s20 =	sand.u32 @!p1 s20, s17;
	s2 =	simm.s32 @p2 $0xCF760  }
0x44: {  	s2 =	ssub.s32 @!p1 s2, s20  }
0x45: {  	s2 =	sadd.s32 @!p1 $0xFFF308A0, s2  }
0x46: {  	s21 =	sand.u32 @!p1 $0x1, s0;
	s20 =	sshll.u32 @!p1 s2, $0x2  }
0x47: {  	p2 =	sgt.s32 @!p1 s2, $0xEF;
	s2 =	ssub.s32 @!p1 $0x3C0, s20;
	s20 =	smulhi.u32 @!p1 $0xAAAAAAAB, s0  }
0x48: {  	s23 =	smul.u32 @!p1 $0x3C0, s21;
	p2 =	por !p2, p1;
	s2 =	sshrl.u32 @!p1 s2, $0x2  }
0x49: {  	s22 =	simm.s32 @!p1 $0x8;
	s2 =	simm.s32 @!p2 $0x0;
	s20 =	sshrl.u32 @!p1 s20, $0x1  }
0x4a: {  	s23 =	sshrl.u32 @!p1 s23, $0x2;
	_ =	swait.ge @!p1 [sflag:s22], s2;
	s20 =	smul.u32 @!p1 $0x3, s20  }
0x4b: {  	s23 =	sor.u32 @!p1 $0x10508, s23;
	s24 =	ssub.s32 @!p1 $0x0, s2;
	[sflag:s22] =	ssyncset.done @!p1 $0x0  }
0x4c: {  	[sflag:s22] =	ssyncadd.s32 @!p1 s24;
	s22 =	sshrl.u32 @!p1 s17, $0x3;
	s0 =	ssub.s32 @!p1 s0, s20  }
0x4d: {  	s24 =	sand.u32 @!p1 $0x7, s17;
	s22 =	sadd.s32 @!p1 s3, s22;
	s0 =	smul.u32 @!p1 $0x3C0, s0  }
0x4e: {  	[tilespmem:s23], [sflag:$0x9] =	stream.linear.gather @!p1 [hbm4b:s22+s24], s2, $0x38;
	[tilespmem:$0x1F6E8] =	vst v63  }
0x4f: {  	s20 =	ssub.s32 @!p1 $0xCF850, s17;
	s2 =	smul.u32 @!p1 $0x1E000, s21  }
0x50: {  	p2 =	slt.s32 @!p1 s20, $0xF0  }
0x51: {  	p2 =	por !p2, p1;
	s0 =	sshrl.u32 @!p1 s0, $0x2;
	s2 =	sshrl.u32 @!p1 s2, $0x2  }
0x52: {  	s20 =	simm.s32 @p2 $0xF0;
	s0 =	sadd.s32 @!p1 $0x10238, s0;
	s2 =	sor.u32 @!p1 $0x106E8, s2  }
0x53: {  	[tilespmem:s2], [sflag:$0x7] =	stream.indirect.gather @!p1 [hbm4b:s4+s20], $0x80, s0, s20, $0xb8;
	[tilespmem:$0x1F6E8] =	vst v63  }
0x54: {  	p1 =	slt.u32 s18, $0x2  }
.Ltmp3:
0x55: {  	_ = 	snop;
	(pc) =	sbr.rel @p1 .LBB2_21-.Ltmp3, $1  }
0x56: {  	_ =	sdelay $0x3  }
0x57: {  	p1 =	sgt.s32 s19, $0xCF760;
	s0 =	smov.u32 s19  }
0x58: {  	s2 =	sshra.s32 s19, $0x1F;
	s20 =	ssub.s32 $0xCF850, s19;
	s0 =	simm.s32 @!p1 $0xCF760  }
0x59: {  	s2 =	sand.u32 s2, s19;
	p1 =	slt.s32 s20, $0xF0;
	s21 =	smov.u32 s20  }
0x5a: {  	s0 =	ssub.s32 s0, s2;
	s21 =	simm.s32 @!p1 $0xF0  }
0x5b: {  	s0 =	sadd.s32 $0xFFF308A0, s0;
	s28 =	sshll.u32 s21, $0x7  }
0x5c: {  	s29 =	sshll.u32 s0, $0x2;
	s2 =	sand.u32 $0x3FFFFF80, s28  }
0x5d: {  	p1 =	sgt.s32 s0, $0xEF;
	s30 =	ssub.s32 $0x3C0, s29;
	_ =	swait.ge [sflag:s9], s2  }
0x5e: {  	s2 =	ssub.s32 $0x0, s2;
	[sflag:s9] =	ssyncset.done $0x0;
	s0 =	sshrl.u32 s30, $0x2  }
0x5f: {  	[sflag:s9] =	ssyncadd.s32 s2;
	s0 =	simm.s32 @p1 $0x0  }
0x60: {  	_ =	swait.ge [sflag:s10], s0  }
0x61: {  	s0 =	ssub.s32 $0x0, s0;
	[sflag:s10] =	ssyncset.done $0x0  }
0x62: {  	[sflag:s10] =	ssyncadd.s32 s0  }
0x63: {  	v1 =	vld [tilespmem:$0xF208];
	_ =	sdelay $0x4  }
0x64: {  	(v2sf) =	vpush v1, $0x0  }
0x65: {  	(v2sf) =	vpush v1, $0x1  }
0x66: {  	(v2sf) =	vpush v1, $0x2;
	_ =	sdelay $0x3  }
0x67: {  	s0 =	sadd.s32 $0xF0, s19  }
0x68: {  	p1 =	slt.s32 s7, s0  }
0x69: {  	s0 =	smov.u32 @p1 s7;
	p1 =	sgt.s32 s20, $0x0  }
0x6a: {  	s23 =	ssub.s32 s0, s19;
	s20 =	simm.s32 @!p1 $0x0  }
0x6b: {  	p1 =	slt.s32 s20, s23  }
0x6c: {  	s23 =	smov.u32 @p1 s20  }
0x6d: {  	s22 =	simm.s32 $0x1;
	p1 =	slt.s32 s23, $0x1  }
.Ltmp4:
0x6e: {  	s22 =	simm.s32 @!p0 $0x0;
	(pc) =	sbr.rel @p1 .LBB2_8-.Ltmp4, $4  }
0x6f: {  	s31 =	smul.u32 $0x3C0, s22  }
0x70: {  	s24 =	spop (v2sf)  }
0x71: {  	s0 =	sshrl.u32 s31, $0x2;
	s26 =	spop (v2sf)  }
0x72: {  	s20 =	sor.u32 $0x10508, s0;
	s19 =	spop (v2sf)  }
0x73: {  	s0 =	smin.u32 s23, $0x10  }
0x74: {  	v1 =	vmov s0  }
0x75: {  	p2 =	sgt.s32 s23, $0x10;
	vm1 =	vgt.u32 v1, v0  }
.Ltmp5:
0x76: {  	_ = 	snop;
	(pc) =	sbr.rel @!p2 .LBB2_7-.Ltmp5, $2  }
0x77: {  	_ =	sdelay $0x2  }
0x78: {  	s25 =	simm.s32 $0x10;
	s28 =	sadd.s32 $0xFFFFFFF0, s23;
	s21 =	smov.u32 s20;
	vm0 =	vmmov vm1  }
.LBB2_6:
0x79: {  	s0 =	smin.u32 s28, $0x10;
	s25 =	sadd.s32 $0x10, s25;
	v1 =	vld.msk [tilespmem:s21+$0x0 ss:$0x1], vm1  }
0x7a: {  	v2 =	vmov s0;
	p2 =	slt.s32 s25, s23  }
0x7b: {  	vm1 =	vgt.u32 v2, v0  }
.Ltmp6:
0x7c: {  	(pc) =	sbr.rel @p2 .LBB2_6-.Ltmp6, $3  }
0x7d: {  	_ =	sdelay $0x1  }
0x7e: {  	v1 =	vshll.u32 v1, $0x4  }
0x7f: {  	s28 =	sadd.s32 $0xFFFFFFF0, s28;
	[tilespmem:s21+$0x0] =	vst.msk vm0, v1;
	s21 =	sadd.s32 $0x10, s21;
	vm0 =	vmmov vm1  }
.LBB2_7:
0x80: {  	_ =	sdelay $0x4  }
0x81: {  	v1 =	vld.msk [tilespmem:s21+$0x0 ss:$0x1], vm1;
	_ =	sdelay $0x4  }
0x82: {  	v1 =	vshll.u32 v1, $0x4  }
0x83: {  	[tilespmem:s21+$0x0] =	vst.msk vm0, v1  }
.LBB2_8:
0x84: {  	s0 =	sand.u32 $0x1, s18  }
0x85: {  	s0 =	smul.u32 $0xF0, s0  }
0x86: {  	p2 =	sne.s32 s26, $0xFFFFFFFF  }
0x87: {  	v1 =	vld.msk @!p2 [tilespmem:s0+$0x10508], $0x1;
	_ =	sdelay $0x4  }
0x88: {  	(v2sf) =	vpush @!p2 v1, $0x0;
	_ =	sdelay $0xc  }
.Ltmp7:
0x89: {  	_ = 	snop;
	(pc) =	sbr.rel @p1 .LBB2_19-.Ltmp7, $4  }
0x8a: {  	_ = 	snop  }
0x8b: {  	s25 =	spop @!p2 (v2sf)  }
0x8c: {  	s19 =	simm.s32 @!p2 $0x0;
	s21 =	smov.u32 s25  }
0x8d: {  	[sflag:s15] =	ssyncpa.u1 $0x0;
	s25 =	smov.u32 @p2 s24;
	s21 =	smov.u32 @p2 s26  }
0x8e: {  	v1 =	vld.msk [tilespmem:s20+$0x0], $0x1;
	_ =	sdelay $0x4  }
0x8f: {  	(v2sf) =	vpush v1, $0x0;
	_ =	sdelay $0xe  }
0x90: {  	s0 =	smul.u32 $0x1E000, s22;
	s29 =	spop (v2sf)  }
0x91: {  	s23 =	ssub.s32 $0x0, s23;
	p1 =	seq.s32 s25, s29  }
0x92: {  	s26 =	sadd.s32 $0x1, s23;
	s0 =	sshrl.u32 s0, $0x2;
	p2 =	sgt.s32 @!p1 s25, $0x0  }
0x93: {  	s22 =	sor.u32 $0x10728, s0;
	s0 =	smov.u32 s25;
	p2 =	por !p2, p1  }
0x94: {  	s0 =	simm.s32 @p2 $0x0;
	p2 =	seq.s32 s26, $0x0  }
.Ltmp8:
0x95: {  	_ = 	snop;
	(pc) =	sbr.rel @p2 .LBB2_11-.Ltmp8, $4  }
0x96: {  	_ = 	snop  }
0x97: {  	s24 =	simm.s32 $0x0;
	s28 =	sadd.s32 $0x1, s20;
	s0 =	smin.u32 @!p1 s0, $0xC34F0  }
0x98: {  	s30 =	simm.s32 @!p1 $0x1;
	s31 =	simm.s32 @!p1 $0x7988;
	s2 =	sand.u32 @!p1 $0xFFFF8, s0  }
0x99: {  	s30 =	smov.u32 @p1 s24;
	s0 =	sand.u32 @!p1 $0x7, s0;
	s2 =	sadd.s32 @!p1 s1, s2  }
.LBB2_10:
0x9a: {  	s8 =	smov.u32 s30  }
0x9b: {  	[tilespmem:s31], [sflag:$0x2] =	stream.linear.gather @!p1 [hbm4b:s2+s0], $0x80, $0x38;
	[tilespmem:$0x1F6E8] =	vst v63  }
0x9c: {  	s26 =	sadd.s32 $0x1, s26;
	s0 =	smov.u32 s29;
	v1 =	vld.msk [tilespmem:s28+$0x0], $0x1  }
0x9d: {  	p2 =	seq.s32 s26, $0x0;
	_ =	sdelay $0x3  }
0x9e: {  	(v2sf) =	vpush v1, $0x0;
	_ =	sdelay $0xe  }
0x9f: {  	s29 =	spop (v2sf)  }
0xa0: {  	p1 =	seq.s32 s0, s29  }
0xa1: {  	p3 =	sgt.s32 @!p1 s0, $0x0;
	s2 =	sshll.u32 @!p1 s30, $0x9;
	s30 =	sadd.s32 @!p1 $0x1, s30  }
.Ltmp9:
0xa2: {  	p3 =	por !p3, p1;
	s2 =	sshra.s32 @!p1 s2, $0x2;
	(pc) =	sbr.rel @!p2 .LBB2_10-.Ltmp9, $4  }
0xa3: {  	s30 =	smov.u32 @p1 s8;
	s0 =	simm.s32 @p3 $0x0;
	s31 =	sadd.s32 @!p1 $0x7988, s2  }
0xa4: {  	s0 =	smin.u32 @!p1 s0, $0xC34F0  }
0xa5: {  	s2 =	sand.u32 @!p1 $0xFFFF8, s0;
	s0 =	sand.u32 @!p1 $0x7, s0  }
0xa6: {  	s28 =	sadd.s32 $0x1, s28;
	s2 =	sadd.s32 @!p1 s1, s2  }
.LBB2_11:
0xa7: {  	[tilespmem:s31], [sflag:$0x2] =	stream.linear.gather @!p1 [hbm4b:s2+s0], $0x80, $0x38;
	[tilespmem:$0x1F6E8] =	vst v63  }
.Ltmp10:
0xa8: {  	s30 =	sshll.u32 s30, $0x7;
	(pc) =	sbr.rel .LBB2_12-.Ltmp10, $4  }
0xa9: {  	s31 =	simm.s32 $0x2;
	s0 =	sand.u32 $0x3FFFFF80, s30  }
0xaa: {  	_ =	swait.ge [sflag:s31], s0  }
0xab: {  	s0 =	ssub.s32 $0x0, s0;
	[sflag:s31] =	ssyncset.done $0x0  }
0xac: {  	s28 =	simm.s32 $0x0;
	[sflag:s31] =	ssyncadd.s32 s0  }
.LBB2_13:
0xad: {  	v1 =	vld [tilespmem:s22+$0xFFFFFFC0];
	_ =	sdelay $0x3  }
0xae: {  	s0 =	sshra.s32 s0, $0x2  }
0xaf: {  	[tilespmem:s0+$0x108] =	vst.add.f32.msk $0xffff, v1  }
0xb0: {  	v1 =	vld [tilespmem:s22+$0xFFFFFFD0];
	_ =	sdelay $0x4  }
0xb1: {  	[tilespmem:s0+$0x118] =	vst.add.f32.msk $0xffff, v1  }
0xb2: {  	v1 =	vld [tilespmem:s22+$0xFFFFFFE0];
	_ =	sdelay $0x4  }
0xb3: {  	[tilespmem:s0+$0x128] =	vst.add.f32.msk $0xffff, v1  }
0xb4: {  	v1 =	vld [tilespmem:s22+$0xFFFFFFF0];
	_ =	sdelay $0x4  }
0xb5: {  	[tilespmem:s0+$0x138] =	vst.add.f32.msk $0xffff, v1  }
0xb6: {  	v1 =	vld [tilespmem:s22+$0x0];
	_ =	sdelay $0x4  }
0xb7: {  	[tilespmem:s0+$0x148] =	vst.add.f32.msk $0xffff, v1  }
0xb8: {  	v1 =	vld [tilespmem:s22+$0x10];
	_ =	sdelay $0x4  }
0xb9: {  	[tilespmem:s0+$0x158] =	vst.add.f32.msk $0xffff, v1  }
0xba: {  	v1 =	vld [tilespmem:s22+$0x20];
	_ =	sdelay $0x4  }
0xbb: {  	[tilespmem:s0+$0x168] =	vst.add.f32.msk $0xffff, v1  }
0xbc: {  	v1 =	vld [tilespmem:s22+$0x30];
	_ =	sdelay $0x4  }
0xbd: {  	[tilespmem:s0+$0x178] =	vst.add.f32.msk $0xffff, v1  }
.LBB2_17:
0xbe: {  	s23 =	sadd.s32 $0x1, s23  }
0xbf: {  	p1 =	seq.s32 s23, $0x0  }
.Ltmp11:
0xc0: {  	_ = 	snop;
	(pc) =	sbr.rel @p1 .LBB2_18-.Ltmp11, $2  }
0xc1: {  	_ =	sdelay $0x2  }
0xc2: {  	s20 =	sadd.s32 $0x1, s20;
	s22 =	sadd.s32 $0x80, s22;
	s25 =	smov.u32 s26  }
.LBB2_12:
0xc3: {  	v1 =	vld.msk [tilespmem:s20+$0x0], $0x1;
	_ =	sdelay $0x4  }
0xc4: {  	(v2sf) =	vpush v1, $0x0;
	_ =	sdelay $0xe  }
0xc5: {  	s26 =	spop (v2sf)  }
0xc6: {  	p1 =	sne.s32 s25, s26  }
.Ltmp12:
0xc7: {  	_ = 	snop;
	(pc) =	sbr.rel @!p1 .LBB2_13-.Ltmp12, $2  }
0xc8: {  	_ =	sdelay $0x2  }
0xc9: {  	s0 =	sshll.u32 s19, $0x9  }
0xca: {  	p1 =	seq.s32 s25, s21  }
.Ltmp13:
0xcb: {  	_ = 	snop;
	(pc) =	sbr.rel @!p1 .LBB2_15-.Ltmp13, $1  }
0xcc: {  	_ =	sdelay $0x3  }
0xcd: {  	s0 =	sshra.s32 s0, $0x2  }
.Ltmp14:
0xce: {  	s0 =	sadd.s32 $0x108, s0;
	(pc) =	sbr.rel .LBB2_16-.Ltmp14, $4  }
0xcf: {  	[spmem:s13] =	stream.linear.scatter [tilespmem:s0], [sflag:$0x1], $0x80, $0x38;
	[tilespmem:$0x1F6E8] =	vst v63  }
0xd0: {  	_ =	swait.ge [sflag:s11], $0x80  }
0xd1: {  	[sflag:s11] =	ssyncset.done $0x0  }
0xd2: {  	[sflag:s11] =	ssyncadd.s32 $0xFFFFFF80  }
.LBB2_15:
0xd3: {  	s2 =	sshll.u32 s24, $0x9  }
0xd4: {  	s2 =	sshra.s32 s2, $0x2  }
0xd5: {  	v1 =	vld [tilespmem:s2+$0x7988];
	_ =	sdelay $0x3  }
0xd6: {  	s0 =	sshra.s32 s0, $0x2  }
0xd7: {  	[tilespmem:s0+$0x108] =	vst.add.f32.msk $0xffff, v1  }
0xd8: {  	v1 =	vld [tilespmem:s2+$0x7998];
	_ =	sdelay $0x4  }
0xd9: {  	[tilespmem:s0+$0x118] =	vst.add.f32.msk $0xffff, v1  }
0xda: {  	v1 =	vld [tilespmem:s2+$0x79A8];
	_ =	sdelay $0x4  }
0xdb: {  	[tilespmem:s0+$0x128] =	vst.add.f32.msk $0xffff, v1  }
0xdc: {  	v1 =	vld [tilespmem:s2+$0x79B8];
	_ =	sdelay $0x4  }
0xdd: {  	[tilespmem:s0+$0x138] =	vst.add.f32.msk $0xffff, v1  }
0xde: {  	v1 =	vld [tilespmem:s2+$0x79C8];
	_ =	sdelay $0x4  }
0xdf: {  	[tilespmem:s0+$0x148] =	vst.add.f32.msk $0xffff, v1  }
0xe0: {  	v1 =	vld [tilespmem:s2+$0x79D8];
	_ =	sdelay $0x4  }
0xe1: {  	[tilespmem:s0+$0x158] =	vst.add.f32.msk $0xffff, v1  }
0xe2: {  	v1 =	vld [tilespmem:s2+$0x79E8];
	_ =	sdelay $0x4  }
0xe3: {  	[tilespmem:s0+$0x168] =	vst.add.f32.msk $0xffff, v1  }
0xe4: {  	v1 =	vld [tilespmem:s2+$0x79F8];
	_ =	sdelay $0x2  }
0xe5: {  	p1 =	sgt.u32 s25, $0xC34F0  }
0xe6: {  	s2 =	sand.u32 @!p1 $0xFFFF8, s25  }
0xe7: {  	s8 =	sadd.s32 $0x108, s0;
	[tilespmem:s0+$0x178] =	vst.add.f32.msk $0xffff, v1;
	s0 =	sadd.s32 @!p1 s1, s2;
	s2 =	sand.u32 @!p1 $0x7, s25  }
0xe8: {  	[hbm4b:s0+s2] =	stream.linear.scatter @!p1 [tilespmem:s8], [sflag:$0xA], $0x80, $0x38;
	[tilespmem:$0x1F6E8] =	vst v63  }
0xe9: {  	s0 =	simm.s32 $0x0  }
0xea: {  	s0 =	simm.s32 @!p1 $0x200  }
0xeb: {  	s28 =	sadd.s32 s0, s28  }
.LBB2_16:
0xec: {  	s0 =	sadd.s32 $0x1, s19  }
0xed: {  	s2 =	smulhi.u32 $0x88888889, s0;
	_ =	sdelay $0x1  }
0xee: {  	v1 =	vld [tilespmem:s22+$0xFFFFFFC0];
	s2 =	sshrl.u32 s2, $0x7  }
0xef: {  	s2 =	smul.u32 $0xF0, s2;
	_ =	sdelay $0x1  }
0xf0: {  	s19 =	ssub.s32 s0, s2  }
0xf1: {  	s0 =	sshll.u32 s19, $0x7  }
0xf2: {  	[tilespmem:s0+$0x108] =	vst v1  }
0xf3: {  	v1 =	vld [tilespmem:s22+$0xFFFFFFD0];
	_ =	sdelay $0x4  }
0xf4: {  	[tilespmem:s0+$0x118] =	vst v1  }
0xf5: {  	v1 =	vld [tilespmem:s22+$0xFFFFFFE0];
	_ =	sdelay $0x4  }
0xf6: {  	[tilespmem:s0+$0x128] =	vst v1  }
0xf7: {  	v1 =	vld [tilespmem:s22+$0xFFFFFFF0];
	_ =	sdelay $0x4  }
0xf8: {  	[tilespmem:s0+$0x138] =	vst v1  }
0xf9: {  	v1 =	vld [tilespmem:s22+$0x0];
	_ =	sdelay $0x4  }
0xfa: {  	[tilespmem:s0+$0x148] =	vst v1  }
0xfb: {  	v1 =	vld [tilespmem:s22+$0x10];
	_ =	sdelay $0x4  }
0xfc: {  	[tilespmem:s0+$0x158] =	vst v1  }
0xfd: {  	v1 =	vld [tilespmem:s22+$0x20];
	_ =	sdelay $0x4  }
0xfe: {  	[tilespmem:s0+$0x168] =	vst v1  }
0xff: {  	v1 =	vld [tilespmem:s22+$0x30]  }
.Ltmp15:
0x100: {  	_ = 	snop;
	(pc) =	sbr.rel .LBB2_17-.Ltmp15, $2  }
0x101: {  	_ =	sdelay $0x2  }
0x102: {  	s24 =	sadd.s32 $0x1, s24;
	[tilespmem:s0+$0x178] =	vst v1  }
.LBB2_19:
.Ltmp16:
0x103: {  	(pc) =	sbr.rel .LBB2_20-.Ltmp16, $4  }
0x104: {  	_ = 	snop  }
0x105: {  	s0 =	simm.s32 $0x2  }
0x106: {  	_ =	swait.ge [sflag:s0], $0x0  }
0x107: {  	s26 =	smov.u32 s25;
	[sflag:s0] =	ssyncset.done $0x0;
	s0 =	simm.s32 $0x0  }
.LBB2_22:
0x108: {  	_ =	sfence.sel $0x180000  }
0x109: {  	s0 =	simm.s32 $0x7;
	[bflag:$0x0] =	sbarrier.arrive $0xFFFF  }
0x10a: {  	s25 =	simm.s32 $0x8;
	[sflag:s0] =	ssyncpa.u1 $0x1  }
0x10b: {  	s26 =	simm.s32 $0x9;
	[sflag:s25] =	ssyncpa.u1 $0x1  }
0x10c: {  	s28 =	simm.s32 $0x2;
	[sflag:s26] =	ssyncpa.u1 $0x1  }
0x10d: {  	[sflag:s28] =	ssyncpa.u1 $0x1  }
0x10e: {  	v0 =	vld [tilespmem:$0xF208];
	_ =	sdelay $0x4  }
0x10f: {  	(v2sf) =	vpush v0, $0x0  }
0x110: {  	(v2sf) =	vpush v0, $0x1;
	_ =	sdelay $0x1  }
0x111: {  	(v2sf) =	vpush v0, $0x2;
	_ =	sdelay $0xb  }
0x112: {  	s0 =	spop (v2sf)  }
0x113: {  	s2 =	spop (v2sf)  }
0x114: {  	s3 =	smov.u32 s0;
	p0 =	sne.s32 s0, s2  }
0x115: {  	s4 =	spop (v2sf);
	s3 =	simm.s32 @!p0 $0xFFFFFFFF  }
0x116: {  	v2 =	vimm.s32 $0x1;
	v3 =	vlaneseq.u32;
	p0 =	seq.s32 s4, $0xFFFFFFFF;
	v1 =	vmov s3  }
0x117: {  	s7 =	stileid.u32;
	v0 =	vperm.xlane v0, v2;
	p1 =	sne.s32 @!p0 s0, s2;
	v1 =	vperm.xlane v1, v3  }
0x118: {  	vm0 =	vcmask $0x3F04;
	s6 =	simm.s32 $0xF208;
	s0 =	simm.s32 @!p0 $0x1;
	p1 =	por !p1, p0  }
0x119: {  	s3 =	sshll.u32 s7, $0x1;
	s2 =	sshll.u32 @!p0 s4, $0x9;
	s0 =	simm.s32 @p1 $0x0;
	v0 =	vsel vm0, v1, v0  }
0x11a: {  	s5 =	sor.u32 $0x1000, s3;
	s2 =	sshra.s32 @!p0 s2, $0x2;
	s0 =	sor.u32 @!p0 s0, s3;
	[tilespmem:$0xF208] =	vst v0  }
0x11b: {  	[spmem:s5] =	stream.linear.scatter [tilespmem:s6], [sflag:$0x1], $0x2, $0x38;
	[tilespmem:$0x1F6E8] =	vst v63  }
0x11c: {  	s2 =	sadd.s32 @!p0 $0x108, s2;
	s0 =	sshll.u32 @!p0 s0, $0x7  }
0x11d: {  	[spmem:s0] =	stream.linear.scatter @!p0 [tilespmem:s2], [sflag:$0x1], $0x80, $0x38;
	[tilespmem:$0x1F6E8] =	vst v63  }
0x11e: {  	s0 =	simm.s32 @!p0 $0x82  }
0x11f: {  	s3 =	simm.s32 $0x1;
	s0 =	simm.s32 @p0 $0x2  }
0x120: {  	_ =	swait.ge [sflag:s3], s0  }
0x121: {  	s0 =	ssub.s32 $0x0, s0;
	[sflag:s3] =	ssyncset.done $0x0  }
0x122: {  	[sflag:s3] =	ssyncadd.s32 s0  }
0x123: {  	_ =	sfence.stream.spmem  }
0x124: {  	s29 =	simm.s32 $0x3;
	[bflag:$0x0] =	sbarrier.arrive $0xFFFF  }
0x125: {  	s30 =	simm.s32 $0x4;
	[sflag:s29] =	ssyncpa.u1 $0x1  }
0x126: {  	s31 =	simm.s32 $0x3C;
	[sflag:s30] =	ssyncpa.u1 $0x1  }
0x127: {  	p0 =	sne.s32 s7, $0x0;
	[sflag:s31] =	ssyncpa.u1 $0x1  }
0x128: {  	_ =	sfence @p0  }
0x129: {  	[sflag:s3] =	ssyncpa.u1 @p0 $0x1  }
0x12a: {  	_ =	strace @p0 $0x90000050  }
0x12b: {  	[bflag:$0x2] =	sbarrier.arrive @p0 $0xFFFF  }
0x12c: {  	_ =	shalt @p0  }
.LBB2_23:
0x12d: {  	_ =	sfence.stream.spmem;
	s0 =	simm.s32 $0x5  }
0x12e: {  	s2 =	simm.s32 $0x1000;
	s3 =	simm.s32 $0xF218;
	[sflag:s0] =	ssyncpa.u1 $0x0  }
0x12f: {  	[tilespmem:s3], [sflag:$0x5] =	stream.linear.gather [spmem:s2], $0x20, $0x38;
	[tilespmem:$0x1F6E8] =	vst v63  }
0x130: {  	s30 =	simm.s32 $0xF238;
	s2 =	simm.s32 $0x0  }
0x131: {  	[tilespmem:s30], [sflag:$0x5] =	stream.linear.gather [spmem:s2], $0x1000, $0x38;
	[tilespmem:$0x1F6E8] =	vst v63  }
.Ltmp17:
0x132: {  	_ = 	snop;
	(pc) =	sbr.rel .LBB2_24-.Ltmp17, $4  }
0x133: {  	_ =	swait.ge [sflag:s0], $0x1020  }
0x134: {  	[sflag:s0] =	ssyncset.done $0x0  }
0x135: {  	s31 =	simm.s32 $0x6;
	[sflag:s0] =	ssyncadd.s32 $0xFFFFEFE0  }
0x136: {  	s3 =	simm.s32 $0x0;
	[sflag:s31] =	ssyncpa.u1 $0x0  }
.LBB2_30:
0x137: {  	p0 =	slt.u32 s4, $0xC34F1  }
0x138: {  	s0 =	sand.u32 @p0 $0xFFFF8, s4  }
0x139: {  	s4 =	sand.u32 @p0 $0x7, s4;
	s5 =	simm.s32 @p0 $0xF188;
	s0 =	sadd.s32 @p0 s1, s0  }
0x13a: {  	[tilespmem:s5], [sflag:$0x6] =	stream.linear.gather @p0 [hbm4b:s0+s4], $0x80, $0x38;
	[tilespmem:$0x1F6E8] =	vst v63  }
0x13b: {  	s0 =	simm.s32 @p0 $0x6  }
0x13c: {  	_ =	swait.ge @p0 [sflag:s0], $0x80  }
0x13d: {  	[sflag:s0] =	ssyncset.done @p0 $0x0  }
0x13e: {  	[sflag:s0] =	ssyncadd.s32 @p0 $0xFFFFFF80  }
0x13f: {  	v1 =	vld @p0 [tilespmem:$0xF188];
	_ =	sdelay $0x2  }
0x140: {  	s0 =	sshll.u32 @p0 s3, $0x9  }
0x141: {  	s4 =	sshrl.u32 @p0 s0, $0x2  }
0x142: {  	[tilespmem:s4+$0xF238] =	vst.add.f32.msk @p0 $0xffff, v1  }
0x143: {  	v1 =	vld @p0 [tilespmem:$0xF198];
	_ =	sdelay $0x4  }
0x144: {  	[tilespmem:s4+$0xF248] =	vst.add.f32.msk @p0 $0xffff, v1  }
0x145: {  	v1 =	vld @p0 [tilespmem:$0xF1A8];
	_ =	sdelay $0x4  }
0x146: {  	[tilespmem:s4+$0xF258] =	vst.add.f32.msk @p0 $0xffff, v1  }
0x147: {  	v1 =	vld @p0 [tilespmem:$0xF1B8];
	_ =	sdelay $0x4  }
0x148: {  	[tilespmem:s4+$0xF268] =	vst.add.f32.msk @p0 $0xffff, v1  }
0x149: {  	v1 =	vld @p0 [tilespmem:$0xF1C8];
	_ =	sdelay $0x4  }
0x14a: {  	[tilespmem:s4+$0xF278] =	vst.add.f32.msk @p0 $0xffff, v1  }
0x14b: {  	v1 =	vld @p0 [tilespmem:$0xF1D8];
	_ =	sdelay $0x4  }
0x14c: {  	[tilespmem:s4+$0xF288] =	vst.add.f32.msk @p0 $0xffff, v1  }
0x14d: {  	v1 =	vld @p0 [tilespmem:$0xF1E8];
	_ =	sdelay $0x4  }
0x14e: {  	[tilespmem:s4+$0xF298] =	vst.add.f32.msk @p0 $0xffff, v1  }
0x14f: {  	v1 =	vld @p0 [tilespmem:$0xF1F8];
	_ =	sdelay $0x3  }
0x150: {  	s5 =	sshll.u32 @!p0 s3, $0x9  }
0x151: {  	s5 =	smov.u32 @p0 s0;
	[tilespmem:s4+$0xF2A8] =	vst.add.f32.msk @p0 $0xffff, v1  }
0x152: {  	s0 =	sshrl.u32 s5, $0x2;
	[tilespmem:s2+$0xF218] =	vst.msk $0x1, v0  }
0x153: {  	v0 =	vld [tilespmem:s0+$0xF238];
	_ =	sdelay $0x2  }
0x154: {  	s31 =	sshll.u32 s2, $0x9  }
0x155: {  	s4 =	sshra.s32 s31, $0x2  }
0x156: {  	[tilespmem:s4+$0xF238] =	vst v0  }
0x157: {  	v0 =	vld [tilespmem:s0+$0xF248];
	_ =	sdelay $0x4  }
0x158: {  	[tilespmem:s4+$0xF248] =	vst v0  }
0x159: {  	v0 =	vld [tilespmem:s0+$0xF258];
	_ =	sdelay $0x4  }
0x15a: {  	[tilespmem:s4+$0xF258] =	vst v0  }
0x15b: {  	v0 =	vld [tilespmem:s0+$0xF268];
	_ =	sdelay $0x4  }
0x15c: {  	[tilespmem:s4+$0xF268] =	vst v0  }
0x15d: {  	v0 =	vld [tilespmem:s0+$0xF278];
	_ =	sdelay $0x4  }
0x15e: {  	[tilespmem:s4+$0xF278] =	vst v0  }
0x15f: {  	v0 =	vld [tilespmem:s0+$0xF288];
	_ =	sdelay $0x4  }
0x160: {  	[tilespmem:s4+$0xF288] =	vst v0  }
0x161: {  	v0 =	vld [tilespmem:s0+$0xF298];
	_ =	sdelay $0x4  }
0x162: {  	[tilespmem:s4+$0xF298] =	vst v0  }
0x163: {  	v0 =	vld [tilespmem:s0+$0xF2A8];
	_ =	sdelay $0x4  }
0x164: {  	s2 =	sadd.s32 $0x1, s2;
	[tilespmem:s4+$0xF2A8] =	vst v0  }
.LBB2_31:
0x165: {  	s3 =	sadd.s32 $0x1, s3  }
0x166: {  	p0 =	sne.s32 s3, $0x20  }
.Ltmp18:
0x167: {  	_ = 	snop;
	(pc) =	sbr.rel @!p0 .LBB2_32-.Ltmp18, $1  }
0x168: {  	_ =	sdelay $0x3  }
.LBB2_24:
0x169: {  	v0 =	vld.msk [tilespmem:s3+$0xF218], $0x1;
	_ =	sdelay $0x4  }
0x16a: {  	(v2sf) =	vpush v0, $0x0;
	_ =	sdelay $0xe  }
0x16b: {  	s4 =	spop (v2sf)  }
0x16c: {  	p0 =	seq.s32 s4, $0xFFFFFFFF  }
.Ltmp19:
0x16d: {  	_ = 	snop;
	(pc) =	sbr.rel @p0 .LBB2_31-.Ltmp19, $1  }
0x16e: {  	_ =	sdelay $0x3  }
0x16f: {  	p0 =	slt.s32 s2, $0x1  }
.Ltmp20:
0x170: {  	_ = 	snop;
	(pc) =	sbr.rel @p0 .LBB2_30-.Ltmp20, $1  }
0x171: {  	_ =	sdelay $0x3  }
0x172: {  	s5 =	simm.s32 $0xF218;
	p0 =	por $0x0, $0x0  }
0x173: {  	v1 =	vld.msk @!p0 [tilespmem:s5+$0x0], $0x1;
	_ =	sdelay $0x4  }
0x174: {  	(v2sf) =	vpush @!p0 v1, $0x0;
	_ =	sdelay $0xd  }
0x175: {  	p2 =	sne.s32 s2, $0x1  }
.Ltmp21:
0x176: {  	s0 =	spop @!p0 (v2sf);
	(pc) =	sbr.rel @!p2 .LBB2_28-.Ltmp21, $4  }
0x177: {  	p1 =	seq.s32 @!p0 s4, s0  }
0x178: {  	s6 =	simm.s32 $0x0;
	p1 =	por !p1, p0  }
0x179: {  	s0 =	simm.s32 $0xFFFFFFFF;
	s6 =	simm.s32 @p1 $0xFFFFFFFF  }
0x17a: {  	s7 =	simm.s32 $0x1;
	s6 =	smov.u32 @p0 s0  }
.LBB2_27:
0x17b: {  	s0 =	smov.u32 s6;
	p0 =	sne.s32 s6, $0xFFFFFFFF  }
0x17c: {  	s5 =	sadd.s32 $0x1, s5;
	s6 =	smov.u32 s7;
	s7 =	sadd.s32 $0x1, s7  }
0x17d: {  	p1 =	sne.s32 s2, s7;
	v1 =	vld.msk @!p0 [tilespmem:s5+$0x0], $0x1;
	_ =	sdelay $0x4  }
0x17e: {  	(v2sf) =	vpush @!p0 v1, $0x0;
	_ =	sdelay $0xe  }
.Ltmp22:
0x17f: {  	s8 =	spop @!p0 (v2sf);
	(pc) =	sbr.rel @p1 .LBB2_27-.Ltmp22, $4  }
0x180: {  	p2 =	seq.s32 @!p0 s4, s8  }
0x181: {  	p2 =	por !p2, p0  }
0x182: {  	s6 =	simm.s32 @p2 $0xFFFFFFFF  }
0x183: {  	s6 =	smov.u32 @p0 s0  }
.LBB2_28:
0x184: {  	p0 =	seq.s32 s6, $0xFFFFFFFF  }
.Ltmp23:
0x185: {  	_ = 	snop;
	(pc) =	sbr.rel @p0 .LBB2_30-.Ltmp23, $1  }
0x186: {  	_ =	sdelay $0x3  }
0x187: {  	s0 =	sshll.u32 s3, $0x7  }
0x188: {  	s0 =	sand.u32 $0x3FFFFF80, s0  }
0x189: {  	v0 =	vld [tilespmem:s0+$0xF238];
	_ =	sdelay $0x2  }
0x18a: {  	s4 =	sshll.u32 s6, $0x9  }
0x18b: {  	s4 =	sshra.s32 s4, $0x2  }
0x18c: {  	[tilespmem:s4+$0xF238] =	vst.add.f32.msk $0xffff, v0  }
0x18d: {  	v0 =	vld [tilespmem:s0+$0xF248];
	_ =	sdelay $0x4  }
0x18e: {  	[tilespmem:s4+$0xF248] =	vst.add.f32.msk $0xffff, v0  }
0x18f: {  	v0 =	vld [tilespmem:s0+$0xF258];
	_ =	sdelay $0x4  }
0x190: {  	[tilespmem:s4+$0xF258] =	vst.add.f32.msk $0xffff, v0  }
0x191: {  	v0 =	vld [tilespmem:s0+$0xF268];
	_ =	sdelay $0x4  }
0x192: {  	[tilespmem:s4+$0xF268] =	vst.add.f32.msk $0xffff, v0  }
0x193: {  	v0 =	vld [tilespmem:s0+$0xF278];
	_ =	sdelay $0x4  }
0x194: {  	[tilespmem:s4+$0xF278] =	vst.add.f32.msk $0xffff, v0  }
0x195: {  	v0 =	vld [tilespmem:s0+$0xF288];
	_ =	sdelay $0x4  }
0x196: {  	[tilespmem:s4+$0xF288] =	vst.add.f32.msk $0xffff, v0  }
0x197: {  	v0 =	vld [tilespmem:s0+$0xF298];
	_ =	sdelay $0x4  }
0x198: {  	[tilespmem:s4+$0xF298] =	vst.add.f32.msk $0xffff, v0  }
0x199: {  	v0 =	vld [tilespmem:s0+$0xF2A8]  }
.Ltmp24:
0x19a: {  	_ = 	snop;
	(pc) =	sbr.rel .LBB2_31-.Ltmp24, $2  }
0x19b: {  	_ =	sdelay $0x2  }
0x19c: {  	[tilespmem:s4+$0xF2A8] =	vst.add.f32.msk $0xffff, v0  }
.LBB2_32:
0x19d: {  	p0 =	slt.s32 s2, $0x1  }
.Ltmp25:
0x19e: {  	_ = 	snop;
	(pc) =	sbr.rel @p0 .LBB2_36-.Ltmp25, $3  }
0x19f: {  	_ =	sdelay $0x1  }
0x1a0: {  	s0 =	simm.s32 $0x6  }
0x1a1: {  	s3 =	simm.s32 $0x0;
	[sflag:s0] =	ssyncpa.u1 $0x1  }
0x1a2: {  	s0 =	simm.s32 $0xF218  }
0x1a3: {  	v0 =	vld.msk [tilespmem:s0+$0x0], $0x1;
	_ =	sdelay $0x4  }
0x1a4: {  	(v2sf) =	vpush v0, $0x0;
	_ =	sdelay $0xd  }
0x1a5: {  	s2 =	sadd.s32 $0xFFFFFFFF, s2  }
0x1a6: {  	p1 =	sne.s32 s2, $0x0;
	s0 =	spop (v2sf)  }
.Ltmp26:
0x1a7: {  	p0 =	sgt.u32 s0, $0xC34F0;
	(pc) =	sbr.rel @!p1 .LBB2_35-.Ltmp26, $4  }
0x1a8: {  	s4 =	simm.s32 $0xF238;
	s5 =	sand.u32 @!p0 $0xFFFF8, s0  }
0x1a9: {  	s6 =	simm.s32 $0x0;
	s0 =	sand.u32 @!p0 $0x7, s0;
	s5 =	sadd.s32 @!p0 s1, s5  }
0x1aa: {  	[hbm4b:s5+s0] =	stream.linear.scatter @!p0 [tilespmem:s4], [sflag:$0x5], $0x80, $0x38;
	[tilespmem:$0x1F6E8] =	vst v63  }
0x1ab: {  	s6 =	simm.s32 @!p0 $0x200;
	s5 =	simm.s32 $0xF219  }
.LBB2_34:
0x1ac: {  	v0 =	vld.msk [tilespmem:s5+$0x0], $0x1;
	s2 =	sadd.s32 $0xFFFFFFFF, s2;
	s3 =	sadd.s32 s3, s6  }
0x1ad: {  	p0 =	sne.s32 s2, $0x0;
	_ =	sdelay $0x3  }
0x1ae: {  	(v2sf) =	vpush v0, $0x0;
	_ =	sdelay $0xe  }
.Ltmp27:
0x1af: {  	s0 =	spop (v2sf);
	(pc) =	sbr.rel @p0 .LBB2_34-.Ltmp27, $4  }
0x1b0: {  	s6 =	simm.s32 $0x0;
	p1 =	sgt.u32 s0, $0xC34F0  }
0x1b1: {  	s4 =	sadd.s32 $0x80, s4;
	s6 =	simm.s32 @!p1 $0x200;
	s7 =	sand.u32 @!p1 $0xFFFF8, s0  }
0x1b2: {  	s5 =	sadd.s32 $0x1, s5;
	s0 =	sand.u32 @!p1 $0x7, s0;
	s7 =	sadd.s32 @!p1 s1, s7  }
0x1b3: {  	[hbm4b:s7+s0] =	stream.linear.scatter @!p1 [tilespmem:s4], [sflag:$0x5], $0x80, $0x38;
	[tilespmem:$0x1F6E8] =	vst v63  }
.LBB2_35:
0x1b4: {  	s0 =	sadd.s32 s3, s6  }
0x1b5: {  	s3 =	sshrl.u32 s0, $0x2  }
.LBB2_36:
0x1b6: {  	s0 =	simm.s32 $0x5  }
0x1b7: {  	_ =	swait.ge [sflag:s0], s3  }
0x1b8: {  	s1 =	ssub.s32 $0x0, s3;
	[sflag:s0] =	ssyncset.done $0x0  }
0x1b9: {  	[sflag:s0] =	ssyncadd.s32 s1  }
0x1ba: {  	[sflag:s0] =	ssyncpa.u1 $0x1  }
0x1bb: {  	s30 =	simm.s32 $0x1;
	_ =	sfence  }
0x1bc: {  	[sflag:s30] =	ssyncpa.u1 $0x1  }
0x1bd: {  	_ =	strace $0x90000050  }
0x1be: {  	[bflag:$0x2] =	sbarrier.arrive $0xFFFF  }
0x1bf: {  	s31 =	rddreg [dreg:$0x1]  }
0x1c0: {  	s0 =	sadd.s32 $0x100000, s31  }
0x1c1: {  	[sflag:s0] =	ssyncadd.tile.s32 $0x1;
	_ =	shalt  }
.Lfunc_end2:
_tile_overlayer_lowered:
.L_overlay_start_2:
0x1c2: {  	(tag) =	ssettag $0x2  }
0x1c3: {  	s0 =	rddreg [dreg:$0x0];
	s2 =	stileid.u32  }
0x1c4: {  	s1 =	rddreg [dreg:$0x1];
	p0 =	sne.s32 s2, $0x0  }
0x1c5: {  	s3 =	rddreg [dreg:$0x2];
	[bflag:$0x3] =	sbarrier.arrive $0xFFFF;
	s2 =	simm.s32 @!p0 $0x1C01  }
0x1c6: {  	[timem:s3], [sflag:s2] =	dma.local @!p0 [hbm:s0], s1  }
0x1c7: {  	s0 =	simm.s32 @!p0 $0x1  }
0x1c8: {  	_ =	swait.ge @!p0 [sflag:s0], s1  }
0x1c9: {  	s1 =	ssub.s32 @!p0 $0x0, s1;
	[sflag:s0] =	ssyncset.done @!p0 $0x0  }
0x1ca: {  	[sflag:s0] =	ssyncadd.s32 @!p0 s1  }
0x1cb: {  	[bflag:$0x3] =	sbarrier.arrive $0xFFFF  }
0x1cc: {  	_ =	shalt  }

// kernel: scatter_offload_async_start
scs
__scs_entry_jumppad:
0x0: {  	(pc) =	sbr.rel $0x88, $3  }
0x1: {  	(tag) =	ssettag $0x0;
	lr =	simm.s32 $0x1  }
0x2: {  	[smem:$0x3F8B] =	sst lr;
	_ =	strace $0xD0000000  }
0x3: {  	_ = 	snop  }
0x4: {  	_ = 	snop  }
0x5: {  	_ = 	snop  }
0x6: {  	_ = 	snop  }
0x7: {  	_ = 	snop  }
__scs_overlays_trampoline_lowered:
0x8: {  	[smem:$0x3F9A] =	sst s0  }
0x9: {  	[smem:$0x3F9B] =	sst s1  }
0xa: {  	[smem:$0x3F9C] =	sst s2  }
0xb: {  	[smem:$0x3F9D] =	sst s3  }
0xc: {  	[smem:$0x3F9E] =	sst s4  }
0xd: {  	[smem:$0x3F9F] =	sst s5  }
0xe: {  	[smem:$0x3FA0] =	sst s6  }
0xf: {  	[smem:$0x3FA1] =	sst s7  }
0x10: {  	[smem:$0x3FA2] =	sst s8  }
0x11: {  	[smem:$0x3FA3] =	sst s9;
	s0 =	simm.s32 @!p0 $0x0  }
0x12: {  	s1 =	sld [smem:$0x3F89];
	s0 =	simm.s32 @p0 $0x1  }
0x13: {  	[smem:$0x3FA4] =	sst s0;
	s0 =	simm.s32 @!p1 $0x0  }
0x14: {  	s2 =	sld [smem:$0x3F88];
	s0 =	simm.s32 @p1 $0x1  }
0x15: {  	[smem:$0x3FA5] =	sst s0;
	s0 =	simm.s32 @!p2 $0x0  }
0x16: {  	s3 =	sld [smem:$0x3FDB];
	s0 =	simm.s32 @p2 $0x1  }
0x17: {  	s4 =	simm.s32 $0x1BF5;
	[smem:$0x3FA7] =	sst s0  }
0x18: {  	s0 =	sld [smem:$0x3F8A];
	_ =	swait.ge [sflag:s4], $0x0  }
0x19: {  	s7 =	sld [smem:$0x3F8B]  }
0x1a: {  	s8 =	sadd.s32 $0xFFFFE003, lr  }
0x1b: {  	s9 =	sadd.s32 $0xFFFFFEF7, lr;
	s5 =	simm.s32 $0xFFFFFFFF;
	p2 =	slt.u32 s8, $0xFFFFF086  }
0x1c: {  	p1 =	slt.u32 s9, $0xF7A;
	s5 =	simm.s32 @!p2 $0x0  }
0x1d: {  	s5 =	simm.s32 @p1 $0x1;
	p0 =	seq.s32 s7, s2  }
0x1e: {  	s7 =	smul.u32 @!p0 $0xF7A, s2;
	p2 =	seq.s32 @!p0 s5, $0x0  }
0x1f: {  	s9 =	smul.u32 $0xF7A, s1;
	s8 =	simm.s32 @!p0 $0x1BF5;
	p2 =	por !p2, p0  }
0x20: {  	[sflag:s8] =	ssyncset.s32 @!p0 $0xFFFFF086;
	s6 =	sadd.s32 @!p0 s3, s7;
	s7 =	simm.s32 @!p0 $0x108  }
0x21: {  	s3 =	sadd.s32 s3, s9;
	s6 =	sadd.s32 @!p0 $0x88, s6;
	s7 =	simm.s32 @p2 $0x1082  }
0x22: {  	[simem:s7], [sflag:s8] =	dma.local @!p0 [hbm:s6], $0xF7A  }
0x23: {  	s9 =	sor.u32 $0xD0000000, s2;
	s6 =	simm.s32 $0x108;
	_ =	swait.ge @!p0 [sflag:s8], $0x0  }
0x24: {  	s3 =	sadd.s32 $0x88, s3;
	s6 =	simm.s32 @!p1 $0x1082;
	[sflag:s4] =	ssyncset.s32 $0xFFFFF086  }
0x25: {  	[simem:s6], [sflag:s4] =	dma.local [hbm:s3], $0xF7A  }
0x26: {  	[smem:$0x3F8B] =	sst s1;
	(tag) =	ssettag s2;
	_ =	strace s9  }
0x27: {  	s1 =	sld [smem:$0x3F9B]  }
0x28: {  	s2 =	sld [smem:$0x3F9C]  }
0x29: {  	s4 =	sld [smem:$0x3F9E]  }
0x2a: {  	p0 =	seq.s32 s5, $0x0;
	s5 =	sld [smem:$0x3F9F]  }
0x2b: {  	s6 =	sld [smem:$0x3FA0]  }
0x2c: {  	s7 =	sld [smem:$0x3FA1]  }
0x2d: {  	s3 =	simm.s32 $0x108;
	s8 =	sld [smem:$0x3FA2]  }
0x2e: {  	s3 =	simm.s32 @!p0 $0x1082;
	s9 =	sld [smem:$0x3FA3]  }
0x2f: {  	lr =	sadd.s32 s0, s3;
	s0 =	sld [smem:$0x3F9A]  }
0x30: {  	s3 =	sld [smem:$0x3F9D]  }
0x31: {  	[smem:$0x3FA6] =	sst s10  }
0x32: {  	s10 =	sld [smem:$0x3FA4];
	_ =	sdelay $0x3  }
0x33: {  	p0 =	seq.s32 s10, $0x1;
	s10 =	sld [smem:$0x3FA6];
	_ =	sdelay $0x3  }
0x34: {  	[smem:$0x3FA6] =	sst s10  }
0x35: {  	s10 =	sld [smem:$0x3FA5];
	_ =	sdelay $0x3  }
0x36: {  	p1 =	seq.s32 s10, $0x1;
	s10 =	sld [smem:$0x3FA6];
	_ =	sdelay $0x3  }
0x37: {  	[smem:$0x3FA6] =	sst s10  }
0x38: {  	s10 =	sld [smem:$0x3FA7]  }
0x39: {  	_ = 	snop;
	(pc) =	sbr.ind lr, $3  }
0x3a: {  	_ = 	snop  }
0x3b: {  	_ = 	snop  }
0x3c: {  	p2 =	seq.s32 s10, $0x1;
	s10 =	sld [smem:$0x3FA6]  }
0x3d: {  	_ =	shalt  }
0x3e: {  	_ =	shalt  }
0x3f: {  	_ =	shalt  }
0x40: {  	_ =	shalt  }
0x41: {  	_ =	shalt  }
0x42: {  	_ =	shalt  }
0x43: {  	_ =	shalt  }
0x44: {  	_ =	shalt  }
0x45: {  	_ =	shalt  }
0x46: {  	_ =	shalt  }
0x47: {  	_ =	shalt  }
0x48: {  	_ =	shalt  }
0x49: {  	_ =	shalt  }
0x4a: {  	_ =	shalt  }
0x4b: {  	_ =	shalt  }
0x4c: {  	_ =	shalt  }
0x4d: {  	_ =	shalt  }
0x4e: {  	_ =	shalt  }
0x4f: {  	_ =	shalt  }
0x50: {  	_ =	shalt  }
0x51: {  	_ =	shalt  }
0x52: {  	_ =	shalt  }
0x53: {  	_ =	shalt  }
0x54: {  	_ =	shalt  }
0x55: {  	_ =	shalt  }
0x56: {  	_ =	shalt  }
0x57: {  	_ =	shalt  }
0x58: {  	_ =	shalt  }
0x59: {  	_ =	shalt  }
0x5a: {  	_ =	shalt  }
0x5b: {  	_ =	shalt  }
0x5c: {  	_ =	shalt  }
0x5d: {  	_ =	shalt  }
0x5e: {  	_ =	shalt  }
0x5f: {  	_ =	shalt  }
0x60: {  	_ =	shalt  }
0x61: {  	_ =	shalt  }
0x62: {  	_ =	shalt  }
0x63: {  	_ =	shalt  }
0x64: {  	_ =	shalt  }
0x65: {  	_ =	shalt  }
0x66: {  	_ =	shalt  }
0x67: {  	_ =	shalt  }
0x68: {  	_ =	shalt  }
0x69: {  	_ =	shalt  }
0x6a: {  	_ =	shalt  }
0x6b: {  	_ =	shalt  }
0x6c: {  	_ =	shalt  }
0x6d: {  	_ =	shalt  }
0x6e: {  	_ =	shalt  }
0x6f: {  	_ =	shalt  }
0x70: {  	_ =	shalt  }
0x71: {  	_ =	shalt  }
0x72: {  	_ =	shalt  }
0x73: {  	_ =	shalt  }
0x74: {  	_ =	shalt  }
0x75: {  	_ =	shalt  }
0x76: {  	_ =	shalt  }
0x77: {  	_ =	shalt  }
0x78: {  	_ =	shalt  }
0x79: {  	_ =	shalt  }
0x7a: {  	_ =	shalt  }
0x7b: {  	_ =	shalt  }
0x7c: {  	_ =	shalt  }
0x7d: {  	_ =	shalt  }
0x7e: {  	_ =	shalt  }
0x7f: {  	_ =	shalt  }
0x80: {  	_ =	shalt  }
0x81: {  	_ =	shalt  }
0x82: {  	_ =	shalt  }
0x83: {  	_ =	shalt  }
0x84: {  	_ =	shalt  }
0x85: {  	_ =	shalt  }
0x86: {  	_ =	shalt  }
0x87: {  	_ =	shalt  }
.Lfunc_end0:
.L_simem_size_0:
called_computation_lowered:
.L_overlay_start_0:
0x88: {  	s0 =	sld [smem:$0x3FD9]  }
0x89: {  	s1 =	sld [smem:$0x3FFE];
	_ =	sdelay $0x3  }
0x8a: {  	s0 =	sadd.s32 s1, s0  }
0x8b: {  	[smem:$0x3FB2] =	sst s0  }
0x8c: {  	_ = 	snop  }
0x8d: {  	(tm) =	ssettm $0x1  }
0x8e: {  	s15 =	sld [smem:$0x3FFB];
	_ =	sdelay $0x3  }
0x8f: {  	_ =	strace s15  }
0x90: {  	s0 =	sld [smem:$0x3FFC];
	_ =	sdelay $0x3  }
0x91: {  	_ =	strace s0  }
0x92: {  	s0 =	sld [smem:$0x3FFD];
	_ =	sdelay $0x3  }
0x93: {  	_ =	strace s0  }
0x94: {  	_ =	strace $0x8FFFFFFF  }
0x95: {  	s16 =	sld [smem:$0x3FDB];
	_ =	sdelay $0x1  }
0x96: {  	s17 =	simm.s32 $_scs_section_size  }
0x97: {  	s2 =	simm.s32 $_size__tile_overlayer_lowered;
	s3 =	simm.s32 $_tile_overlayer_lowered  }
0x98: {  	s20 =	simm.s32 $0x1BFF;
	s19 =	sshll.u32 s3, $0x1;
	s0 =	sadd.s32 s17, s16  }
0x99: {  	s4 =	simm.s32 $0x0;
	s18 =	sshll.u32 s2, $0x1;
	s2 =	sadd.s32 s19, s0  }
0x9a: {  	[timem:s4], [sflag:s20] =	dma.local [hbm:s2], s18  }
0x9b: {  	_ =	swait.ge [sflag:s20], s18  }
0x9c: {  	s1 =	ssub.s32 $0x0, s18;
	[sflag:s20] =	ssyncset.done $0x0  }
0x9d: {  	[sflag:s20] =	ssyncadd.s32 s1;
	_ =	sdelay $0x1  }
0x9e: {  	s21 =	simm.s32 $0x1B8B  }
0x9f: {  	_ =	swait.ge [sflag:s21], $0x1  }
0xa0: {  	[sflag:s21] =	ssyncset.done $0x0  }
0xa1: {  	s23 =	simm.s32 $0x1B8E;
	s22 =	sld [smem:$0x3FFE];
	[sflag:s21] =	ssyncadd.s32 $0xFFFFFFFF  }
0xa2: {  	s24 =	simm.s32 $execute0_lowered;
	[smem:$0x3FD2] =	sst s23  }
0xa3: {  	s2 =	sshll.u32 s24, $0x1;
	_ =	strace $0x80000046;
	[dreg:$0x1] =	wrdreg $0xFFFFFFFF  }
0xa4: {  	s25 =	simm.s32 $_size_execute0_lowered;
	s0 =	sadd.s32 s0, s2;
	[dreg:$0x0] =	wrdreg $0x0  }
0xa5: {  	s2 =	sshll.u32 s25, $0x1;
	[dreg:$0x2] =	wrdreg s0  }
0xa6: {  	[dreg:$0x3] =	wrdreg s2  }
0xa7: {  	[dreg:$0x4] =	wrdreg $0xC0  }
0xa8: {  	_ =	task [dreg:s4], $0x5FFFF  }
0xa9: {  	[dreg:$0x1] =	wrdreg $0xFFFFFFFF  }
0xaa: {  	[dreg:$0x0] =	wrdreg $0x60  }
0xab: {  	[dreg:$0x2] =	wrdreg s22  }
0xac: {  	[dreg:$0x3] =	wrdreg $0x9  }
0xad: {  	_ =	task.clear_ibuf [dreg:s4], $0x4FFFF;
	_ =	strace $0x90000046  }
0xae: {  	s26 =	simm.s32 $0x9;
	_ =	strace $0x80000048  }
0xaf: {  	_ =	swait.ge [sflag:s26], $0x1  }
0xb0: {  	[sflag:s26] =	ssyncadd.s32 $0xFFFFFFFF  }
0xb1: {  	_ =	strace $0x90000048  }
0xb2: {  	_ =	sfence  }
0xb3: {  	s28 =	sld [smem:$0x0];
	_ =	sdelay $0x1  }
0xb4: {  	s29 =	srdreg.scid  }
0xb5: {  	s30 =	sshll.u32 s29, $0xD;
	s31 =	sshrl.u32 s29, $0x2  }
0xb6: {  	s1 =	sand.u32 $0x1, s29;
	s2 =	sand.u32 $0x4000, s30;
	s0 =	sadd.s32 s31, s28  }
0xb7: {  	s1 =	sor.u32 s2, s1;
	s0 =	sshll.u32 s0, $0x11  }
0xb8: {  	s0 =	sor.u32 s0, s1  }
0xb9: {  	s0 =	sadd.s32 $0x8F2B, s0  }
0xba: {  	[sflag:s0] =	ssyncadd.remote.s32 $0x1  }
0xbb: {  	_ =	sfence.sel $0xFFFF  }
0xbc: {  	[dreg:$0x0] =	wrdreg $0xFFFFFFFF;
	(pc) =	sbr.abs _section_cstart, $3  }
0xbd: {  	[dreg:$0x1] =	wrdreg $0xFFFFFFFF  }
0xbe: {  	_ =	task.clear_ibuf [dreg:s4], $0x2FFFF;
	_ =	strace $0x9FFFFFFF  }
0xbf: {  	(tm) =	ssettm $0x7FFFFFFF  }
tec
execute0_lowered:
.L_overlay_start_1:
0x0: {  	(tag) =	ssettag $0x1  }
0x1: {  	s0 =	rddreg [dreg:$0x0]  }
0x2: {  	s6 =	stileid.u32;
	_ =	strace $0x80000047;
	s2 =	simm.s32 $0x1  }
0x3: {  	v1 =	vimm.s32 $0xFFFFFFFF;
	s1 =	smul.u32 $0x7, s6;
	[sflag:s2] =	ssyncpa.u1 $0x0  }
0x4: {  	s3 =	smin.u32 s6, $0xD;
	[tilespmem:$0x10] =	vst v1  }
0x5: {  	v0 =	vimm.f32 $0.0e+00;
	[tilespmem:$0x20] =	vst v1;
	s1 =	sadd.s32 s3, s1  }
0x6: {  	p0 =	slt.u32 s6, $0xD;
	[tilespmem:$0x30] =	vst v0;
	s3 =	smul.u32 $0x1A90, s1;
	s1 =	simm.s32 $0xD480  }
0x7: {  	[tilespmem:$0x40] =	vst v0;
	s1 =	simm.s32 @!p0 $0xB9F0  }
0x8: {  	[tilespmem:$0x50] =	vst v0;
	s1 =	sadd.s32 s1, s3  }
0x9: {  	[tilespmem:$0x60] =	vst v1;
	s4 =	smin.u32 s1, $0xCF850  }
0xa: {  	s7 =	simm.s32 $0x2;
	[tilespmem:$0x70] =	vst v1;
	s9 =	ssub.s32 s4, s3  }
0xb: {  	s8 =	simm.s32 $0x8;
	s31 =	simm.s32 $0x9;
	[tilespmem:$0x80] =	vst v1;
	p0 =	sgt.s32 s9, $0x0  }
0xc: {  	s16 =	simm.s32 $0x0;
	s17 =	simm.s32 $0xF0;
	v1 =	vimm.s32 $0x0;
	[tilespmem:$0xB0] =	vst v0;
	s9 =	simm.s32 @!p0 $0x0  }
0xd: {  	s18 =	simm.s32 $0xFFFFFFFF;
	s19 =	simm.s32 $0xFFFFCBE0;
	[tilespmem:$0x90] =	vst v1;
	s5 =	smulhi.u32 $0x134679AD, s9  }
0xe: {  	s20 =	simm.s32 $0xFFFFFFFE;
	[tilespmem:$0xA0] =	vst v1;
	[sflag:s7] =	ssyncpa.u1 $0x0;
	s7 =	simm.s32 $0x7  }
0xf: {  	s21 =	simm.s32 $0xF;
	[sflag:s7] =	ssyncpa.u1 $0x0;
	s10 =	sshrl.u32 s5, $0x9  }
0x10: {  	s25 =	simm.s32 $0x0;
	[sflag:s8] =	ssyncpa.u1 $0x0;
	s11 =	smul.u32 $0x1A90, s10  }
0x11: {  	s24 =	simm.s32 $0x0;
	s14 =	sshllo.u32 s6, $0x1;
	[sflag:s31] =	ssyncpa.u1 $0x0  }
.Ltmp0:
0x12: {  	s1 =	sadd.s32 $0x161000, s0;
	p0 =	sne.s32 s9, s11;
	(pc) =	sbr.rel .LBB2_1-.Ltmp0, $4  }
0x13: {  	s5 =	sadd.s32 $0x1BA00, s0;
	s0 =	sadd.s32 $0x1A00, s0;
	s2 =	simm.s32 @!p0 $0x0  }
0x14: {  	s23 =	smov.u32 s3;
	[dreg:$0x2] =	wrdreg s0;
	s9 =	sadd.s32 s2, s10  }
0x15: {  	vm0 =	vmmov $0xffff;
	v2 =	vlaneseq.u32;
	p0 =	por $0x0, $0x0;
	s10 =	sshll.u32 s6, $0x1;
	s11 =	sadd.s32 $0x1, s9  }
0x16: {  	vm1 =	vmxor vm1, vm1;
	vm2 =	vmmov $0x1;
	vm3 =	vcmask $0x3F3C;
	s12 =	sadd.s32 $0x2, s9;
	s13 =	sor.u32 $0x81, s10;
	s15 =	sor.u32 $0x80, s10  }
.LBB2_9:
0x17: {  	p1 =	slt.u32 s24, $0x3  }
0x18: {  	s0 =	simm.s32 @!p1 $0x2  }
0x19: {  	_ =	swait.ge @!p1 [sflag:s0], $0x1A90  }
0x1a: {  	[sflag:s0] =	ssyncset.done @!p1 $0x0  }
0x1b: {  	[sflag:s0] =	ssyncadd.s32 @!p1 $0xFFFFE570;
	s0 =	simm.s32 @!p1 $0x9  }
0x1c: {  	_ =	swait.ge @!p1 [sflag:s0], $0x10  }
0x1d: {  	[sflag:s0] =	ssyncset.done @!p1 $0x0  }
0x1e: {  	[sflag:s0] =	ssyncadd.s32 @!p1 $0xFFFFFFF0;
	p1 =	sne.s32 s24, s12  }
.Ltmp1:
0x1f: {  	s2 =	sadd.s32 $0x1A90, s23;
	(pc) =	sbr.rel @!p1 .LBB2_10-.Ltmp1, $4  }
0x20: {  	s6 =	smov.u32 s3;
	s31 =	sadd.s32 $0x1, s24;
	s17 =	sadd.s32 $0x1A90, s17  }
0x21: {  	s18 =	sadd.s32 $0x1, s18;
	s25 =	smov.u32 s23;
	p2 =	slt.s32 s2, s4  }
0x22: {  	p0 =	por !p0, !p0;
	s19 =	sadd.s32 $0x1A90, s19;
	s6 =	smov.u32 @p2 s2  }
0x23: {  	s20 =	sadd.s32 $0x1, s20;
	s23 =	smov.u32 s6;
	s24 =	smov.u32 s31  }
.LBB2_1:
0x24: {  	p1 =	sge.u32 s24, s9  }
0x25: {  	s0 =	smulhi.u32 @!p1 $0xAAAAAAAB, s24;
	_ =	sdelay $0x1  }
0x26: {  	s0 =	sshrl.u32 @!p1 s0, $0x1  }
0x27: {  	s0 =	smul.u32 @!p1 $0x3, s0;
	_ =	sdelay $0x1  }
0x28: {  	s0 =	ssub.s32 @!p1 s24, s0  }
0x29: {  	s0 =	smul.u32 @!p1 $0x6A40, s0;
	_ =	sdelay $0x1  }
0x2a: {  	s2 =	sshrl.u32 @!p1 s23, $0x3;
	s0 =	sshrl.u32 @!p1 s0, $0x2  }
0x2b: {  	s22 =	sand.u32 @!p1 $0x7, s23;
	s2 =	sadd.s32 @!p1 s5, s2;
	s0 =	sadd.s32 @!p1 $0x100, s0  }
0x2c: {  	[tilespmem:s0], [sflag:$0x7] =	stream.linear.gather @!p1 [hbm4b:s2+s22], $0x1A90, $0x38;
	[tilespmem:$0xF030] =	vst v63  }
0x2d: {  	s0 =	sadd.s32 $0xFFFFFFFF, s24  }
0x2e: {  	p1 =	sge.u32 s0, s9  }
.Ltmp2:
0x2f: {  	_ = 	snop;
	(pc) =	sbr.rel @p1 .LBB2_5-.Ltmp2, $1  }
0x30: {  	_ =	sdelay $0x3  }
0x31: {  	s2 =	smulhi.u32 $0xAAAAAAAB, s0;
	_ =	sdelay $0x1  }
0x32: {  	s2 =	sshrl.u32 s2, $0x1  }
0x33: {  	s2 =	smul.u32 $0x3, s2;
	_ =	sdelay $0x1  }
0x34: {  	s2 =	ssub.s32 s0, s2  }
0x35: {  	s2 =	smul.u32 $0x6A40, s2  }
0x36: {  	_ =	swait.ge [sflag:s7], $0x1A90  }
0x37: {  	[sflag:s7] =	ssyncset.done $0x0;
	s2 =	sshrl.u32 s2, $0x2  }
0x38: {  	[sflag:s7] =	ssyncadd.s32 $0xFFFFE570;
	(ifvalue) =	ssetifvalue $0xFFFFFFFF;
	v3 =	vld.msk [tilespmem:s2+$0x100 ss:$0x1], $0xffff;
	_ =	sdelay $0x2  }
0x39: {  	s30 =	smulhi.u32 $0xAAAAAAAB, s18;
	p1 =	sne.s32 s24, $0x1  }
0x3a: {  	v4 =	vimm.s32 @!p1 $0x0  }
0x3b: {  	s2 =	sshrl.u32 s30, $0x1;
	v4 =	vperm.xlane @!p1 v3, v4  }
0x3c: {  	s22 =	sshll.u32 s24, $0x4;
	s2 =	smul.u32 $0xFFFEC140, s2;
	vm4 =	vlt.u32 v3, $0xC400  }
0x3d: {  	s22 =	sand.u32 $0x10, s22;
	v3 =	vnsel vm4, $0xFFFFFFFE, v3;
	vm4 =	vlt.u32 @!p1 v4, $0xC400  }
0x3e: {  	s2 =	sshra.s32 s2, $0x2;
	[tilespmem:s22+$0x60] =	vst v3;
	v3 =	vnsel @!p1 vm4, $0xFFFFFFFE, v4  }
0x3f: {  	s28 =	sadd.s32 s2, s17;
	[tilespmem:$0x80] =	vst @!p1 v3  }
0x40: {  	v3 =	vld.msk [tilespmem:s28+$0x0 ss:$0x1], $0xffff;
	_ =	sdelay $0x4  }
0x41: {  	(xrf1) =	vunique.msk.u32 $0xffff, v3;
	_ =	sdelay $0xd  }
0x42: {  	v4 =	vimm.s32 $0xFFFFFFFF;
	v5, _, _ =	vpop (xrf1)  }
0x43: {  	vm5 =	vne.s32 v3, v4;
	vm4 =	veq.s32 v5, v2  }
0x44: {  	vm6 =	vlt.u32 v3, $0xC400;
	vm4 =	vmand vm5, vm4  }
0x45: {  	vm4 =	vmand vm6, vm4  }
0x46: {  	v4 =	vnsel vm4, $0xFFFFFFFF, v3  }
0x47: {  	s31 =	sand.u32 $0x1, s0  }
0x48: {  	s0 =	simm.s32 $0x1A90;
	p1 =	seq.s32 s31, $0x1  }
0x49: {  	s0 =	simm.s32 @!p1 $0x0  }
0x4a: {  	s26 =	sadd.s32 $0x6B30, s0;
	(ifvalue) =	ssetifvalue $0xFFFFFFFF  }
0x4b: {  	v3 =	vperm.xlane v3, v1;
	[tilespmem:s26], [sflag:$0x8] =	stream.indirect_vreg.gather [hbm4b:s1+s16], $0x1, v4, vm0, $0x4038;
	v4 =	vnsel vm6, $0xFFFFFFFE, v4;
	[tilespmem:$0xF030] =	vst v63  }
0x4c: {  	s2 =	simm.s32 $0x0;
	s22 =	sadd.s32 $0xFFFFFFF0, s28;
	[tilespmem:s28+$0x0] =	vst v4  }
.LBB2_3:
0x4d: {  	v4 =	vld.msk [tilespmem:s22+$0x0 ss:$0x1], $0xffff;
	s2 =	sadd.s32 $0x10, s2;
	v5 =	vmov v3;
	s28 =	smov.u32 s22  }
0x4e: {  	p1 =	slt.u32 s2, $0x1A80;
	_ =	sdelay $0x4  }
0x4f: {  	v3 =	vperm.xlane v4, v1;
	(xrf1) =	vunique.msk.u32 $0xffff, v4;
	_ =	sdelay $0xd  }
0x50: {  	v6, _, _ =	vpop (xrf1)  }
0x51: {  	vm5 =	vne.s32 v4, v5;
	vm4 =	veq.s32 v6, v2  }
0x52: {  	vm6 =	vlt.u32 v4, $0xC400;
	vm4 =	vmand vm5, vm4  }
0x53: {  	vm4 =	vmand vm6, vm4  }
0x54: {  	v4 =	vnsel vm4, $0xFFFFFFFF, v4  }
.Ltmp3:
0x55: {  	v5 =	vnsel vm6, $0xFFFFFFFE, v4;
	(pc) =	sbr.rel @p1 .LBB2_3-.Ltmp3, $3  }
0x56: {  	_ =	sdelay $0x1  }
0x57: {  	s22 =	sadd.s32 $0xFFFFFFF0, s22;
	s26 =	sadd.s32 $0xFFFFFFF0, s26;
	(ifvalue) =	ssetifvalue $0xFFFFFFFF  }
0x58: {  	[tilespmem:s26], [sflag:$0x8] =	stream.indirect_vreg.gather [hbm4b:s1+s16], $0x1, v4, vm0, $0x4038;
	[tilespmem:s28+$0x0] =	vst v5  }
0x59: {  	s2 =	sshrl.u32 s25, $0x3;
	s6 =	rddreg [dreg:$0x2]  }
0x5a: {  	s0 =	sadd.s32 $0x85D0, s0;
	s2 =	sadd.s32 s6, s2  }
0x5b: {  	[tilespmem:s0], [sflag:$0x8] =	stream.linear.gather [hbm:s2], $0x1A90, $0x38;
	[tilespmem:$0xF030] =	vst v63  }
.LBB2_5:
0x5c: {  	p1 =	slt.u32 s24, $0x2  }
0x5d: {  	p2 =	sge.u32 @!p1 s24, s12  }
0x5e: {  	p1 =	por p1, p2  }
.Ltmp4:
0x5f: {  	_ = 	snop;
	(pc) =	sbr.rel @p1 .LBB2_9-.Ltmp4, $1  }
0x60: {  	_ =	sdelay $0x3  }
0x61: {  	s0 =	sadd.s32 $0xFFFFFFFE, s24  }
0x62: {  	s2 =	smulhi.u32 $0xAAAAAAAB, s0;
	_ =	sdelay $0x1  }
0x63: {  	s2 =	sshrl.u32 s2, $0x1  }
0x64: {  	s2 =	smul.u32 $0x3, s2;
	_ =	sdelay $0x1  }
0x65: {  	s0 =	ssub.s32 s0, s2  }
0x66: {  	_ =	swait.ge [sflag:s8], $0x3520;
	s0 =	smul.u32 $0x1A90, s0  }
0x67: {  	p1 =	sne.s32 s24, s11;
	[sflag:s8] =	ssyncset.done $0x0  }
0x68: {  	[sflag:s8] =	ssyncadd.s32 $0xFFFFCAE0;
	s2 =	sadd.s32 @!p1 $0x1B8F, s0  }
0x69: {  	[spmem:s13] =	stream.linear.scatter @!p1 [tilespmem:s2], [sflag:$0x1], $0x1, $0x38;
	[tilespmem:$0xF030] =	vst v63  }
0x6a: {  	s2 =	simm.s32 @!p1 $0x1  }
0x6b: {  	_ =	swait.ge @!p1 [sflag:s2], $0x1  }
0x6c: {  	s22 =	sshll.u32 s24, $0x4;
	[sflag:s2] =	ssyncset.done @!p1 $0x0  }
0x6d: {  	s25 =	sand.u32 $0x10, s22;
	[sflag:s2] =	ssyncadd.s32 @!p1 $0xFFFFFFFF  }
0x6e: {  	s2 =	sxor.u32 $0x10, s25;
	v4 =	vld [tilespmem:s25+$0x10]  }
0x6f: {  	v5 =	vld [tilespmem:s2+$0x60]  }
0x70: {  	v3 =	vld [tilespmem:$0x80];
	_ =	sdelay $0x2  }
0x71: {  	(v2sf) =	vpush v4, $0x0  }
0x72: {  	(v2sf) =	vpush v5, $0x0  }
0x73: {  	(v2sf) =	vpush v3, $0x0;
	_ =	sdelay $0xc  }
0x74: {  	s6 =	spop (v2sf)  }
0x75: {  	s28 =	spop (v2sf)  }
0x76: {  	s26 =	spop (v2sf)  }
0x77: {  	p2 =	seq.s32 s6, s28;
	p3 =	seq.s32 s26, s6  }
0x78: {  	p3 =	por p2, p3  }
0x79: {  	s6 =	sand.u32 $0x1, s24;
	v4 =	vpsel p3, $0xFFFFFFFF, v4  }
0x7a: {  	s28 =	smul.u32 $0x1A90, s6;
	[tilespmem:s25+$0x10] =	vst.msk $0x1, v4  }
0x7b: {  	v4 =	vld [tilespmem:$0x30]  }
0x7c: {  	v5 =	vld [tilespmem:s28+$0x85D0]  }
0x7d: {  	v6 =	vld [tilespmem:s25+$0x40];
	_ =	sdelay $0x3  }
0x7e: {  	vm4 =	vmmov vm1;
	v5 =	vadd.f32 v5, v4  }
0x7f: {  	vm5 =	vmmov vm2;
	vm4 =	vmmov @p2 vm2;
	v4 =	vadd.f32 v6, v4  }
0x80: {  	s22 =	sshll.u32 s6, $0x4;
	vm5 =	vmmov @p3 vm1;
	[tilespmem:s28+$0x85D0] =	vst.msk vm4, v5  }
0x81: {  	[tilespmem:s22+$0xF010] =	vst.msk vm5, v4  }
0x82: {  	v4 =	vld [tilespmem:s28+$0x6B30];
	_ =	sdelay $0x3  }
0x83: {  	v5 =	vimm.f32 $0.0e+00  }
0x84: {  	v4 =	vshift.insert v4, v5, s21  }
0x85: {  	s29 =	sor.u32 $0x40, s2  }
0x86: {  	[tilespmem:s29+$0x0] =	vst.msk $0x1, v4  }
0x87: {  	[tilespmem:s28+$0x6B3F] =	vst.msk $0x1, v5  }
0x88: {  	v4 =	vld [tilespmem:s0+$0x1B80];
	_ =	sdelay $0x1  }
0x89: {  	s29 =	smulhi.u32 $0xAAAAAAAB, s20;
	s0 =	simm.s32 $0x1  }
0x8a: {  	s0 =	simm.s32 @!p0 $0x0  }
0x8b: {  	s29 =	sshrl.u32 s29, $0x1;
	s0 =	smul.u32 $0x6A40, s0  }
0x8c: {  	s29 =	smul.u32 $0xFFFEC140, s29;
	v4 =	vshift.insert v4, v1, s21  }
0x8d: {  	s0 =	sshrl.u32 s0, $0x2  }
0x8e: {  	s29 =	sshra.s32 s29, $0x2;
	s30 =	sadd.s32 $0x85D0, s0;
	[tilespmem:s2+$0x10] =	vst.msk $0x1, v4  }
0x8f: {  	s6 =	sadd.s32 s29, s19;
	v6 =	vld [tilespmem:s30+$0x0]  }
0x90: {  	v7 =	vld [tilespmem:s6+$0x0];
	_ =	sdelay $0x3  }
0x91: {  	v5 =	vadd.f32 v6, v5  }
0x92: {  	vm4 =	vne.s32 v7, $0xFFFFFFFF  }
0x93: {  	(xrf2) =	vadd.seg.scan.f32 vm4, v5;
	_ =	sdelay $0x3  }
0x94: {  	s31 =	sadd.s32 $0x50B0, s0;
	v5 =	vperm.xlane v4, v1  }
0x95: {  	v6 =	vld [tilespmem:s31+$0x0]  }
0x96: {  	vm5 =	veq.s32 v7, v3;
	vm6 =	veq.s32 v7, v5  }
0x97: {  	vm7 =	vgt.u32 v7, $0xFFFFFFFD;
	vm6 =	vmor vm6, vm5  }
0x98: {  	vm6 =	vmor vm6, vm7  }
0x99: {  	v9 =	vld [tilespmem:$0xA0];
	v7 =	vsel vm6, $0xFFFFFFFF, v7  }
0x9a: {  	v10 =	vld [tilespmem:$0x90];
	v6 =	vsel vm5, $0x0, v6;
	v8, _, _ =	vpop (xrf2)  }
0x9b: {  	v6 =	vadd.f32 v8, v6  }
0x9c: {  	s0 =	sadd.s32 $0xBAF0, s0  }
0x9d: {  	vm4 =	vmand vm4, vm3;
	[tilespmem:s0+$0x0] =	vst v6;
	(ifvalue) =	ssetifvalue $0xFFFFFFFF  }
0x9e: {  	vm6 =	veq.s32 v9, $0x1;
	[hbm4b:s1+s16] =	stream.indirect_vreg.scatter [tilespmem:s0], [sflag:$0x2], $0x1, v7, vm0, $0x4038;
	v7 =	vsel vm4, $0x0, v8;
	[tilespmem:$0xF030] =	vst v63  }
0x9f: {  	s29 =	sadd.s32 $0xF010, s22;
	s22 =	sadd.s32 $0x10, s6;
	s2 =	simm.s32 $0x0;
	vm4 =	vmor vm6, vm5;
	v6 =	vsel vm5, v8, v10;
	v7 =	vshift.insert v7, v0, s21  }
.LBB2_7:
0xa0: {  	v8 =	vld [tilespmem:s22+$0x0];
	s30 =	sadd.s32 $0x10, s30  }
0xa1: {  	s31 =	sadd.s32 $0x10, s31;
	v9 =	vld [tilespmem:s30+$0x0]  }
0xa2: {  	s2 =	sadd.s32 $0x10, s2;
	v10 =	vld [tilespmem:s31+$0x0]  }
0xa3: {  	p2 =	slt.u32 s2, $0x1A80;
	_ =	sdelay $0x2  }
0xa4: {  	v7 =	vadd.f32 v9, v7  }
0xa5: {  	vm5 =	vne.s32 v8, $0xFFFFFFFF  }
0xa6: {  	vm6 =	vmand vm5, vm3;
	(xrf2) =	vadd.seg.scan.f32 vm5, v7;
	_ =	sdelay $0x5  }
0xa7: {  	vm7 =	veq.s32 v8, v5;
	vm5 =	veq.s32 v8, v3  }
0xa8: {  	vm8 =	vgt.u32 v8, $0xFFFFFFFD;
	vm4 =	vmor vm4, vm5;
	vm7 =	vmor vm7, vm5  }
0xa9: {  	vm7 =	vmor vm7, vm8  }
0xaa: {  	v8 =	vsel vm7, $0xFFFFFFFF, v8  }
.Ltmp5:
0xab: {  	v7 =	vsel vm5, $0x0, v10;
	v9, _, _ =	vpop (xrf2);
	(pc) =	sbr.rel @p2 .LBB2_7-.Ltmp5, $4  }
0xac: {  	v6 =	vsel vm5, v9, v6;
	v10 =	vadd.f32 v9, v7;
	v7 =	vsel vm6, $0x0, v9  }
0xad: {  	s0 =	sadd.s32 $0x10, s0;
	v7 =	vshift.insert v7, v0, s21  }
0xae: {  	s22 =	sadd.s32 $0x10, s22;
	[tilespmem:s0+$0x0] =	vst v10;
	(ifvalue) =	ssetifvalue $0xFFFFFFFF  }
0xaf: {  	[hbm4b:s1+s16] =	stream.indirect_vreg.scatter [tilespmem:s0], [sflag:$0x2], $0x1, v8, vm0, $0x4038;
	[tilespmem:$0xF030] =	vst v63  }
0xb0: {  	v3 =	vld [tilespmem:s28+$0xD570];
	_ =	sdelay $0x4  }
0xb1: {  	v3 =	vshift.insert v3, v0, s21  }
0xb2: {  	s0 =	simm.s32 $0x30  }
0xb3: {  	[tilespmem:s0+$0x0] =	vst.msk $0x1, v3  }
0xb4: {  	v3 =	vsel vm4, $0x1, v1;
	[tilespmem:$0x90] =	vst v6  }
0xb5: {  	s0 =	sadd.s32 @!p1 $0xD57F, s28;
	[tilespmem:$0xA0] =	vst v3  }
0xb6: {  	[spmem:s14] =	stream.linear.scatter @!p1 [tilespmem:s0], [sflag:$0x1], $0x1, $0x38;
	[tilespmem:$0xF030] =	vst v63  }
0xb7: {  	s0 =	simm.s32 @!p1 $0x1  }
0xb8: {  	v3 =	vmctz.xlane @!p1 vm4;
	_ =	swait.ge @!p1 [sflag:s0], $0x1  }
0xb9: {  	(v2sf) =	vpush @!p1 v4, $0x0  }
0xba: {  	(v2sf) =	vpush @!p1 v3, $0x0;
	_ =	sdelay $0xd  }
0xbb: {  	s2 =	spop @!p1 (v2sf)  }
0xbc: {  	s6 =	spop @!p1 (v2sf)  }
0xbd: {  	p2 =	sne.s32 @!p1 s26, s2;
	p3 =	slt.s32 @!p1 s6, $0xF  }
0xbe: {  	[sflag:s0] =	ssyncset.done @!p1 $0x0;
	p2 =	por p2, p1;
	p3 =	por !p3, p1  }
0xbf: {  	[sflag:s0] =	ssyncadd.s32 @!p1 $0xFFFFFFFF;
	v3 =	vimm.s32 @!p2 $0xFFFFFFFF;
	s6 =	simm.s32 @p3 $0xF  }
0xc0: {  	[tilespmem:$0x80] =	vst @!p2 v3;
	s2 =	sadd.s32 @!p1 $0x90, s6  }
0xc1: {  	[spmem:s10] =	stream.linear.scatter @!p1 [tilespmem:s2], [sflag:$0x1], $0x1, $0x38;
	[tilespmem:$0xF030] =	vst v63  }
0xc2: {  	_ =	swait.ge @!p1 [sflag:s0], $0x1  }
0xc3: {  	[sflag:s0] =	ssyncset.done @!p1 $0x0  }
0xc4: {  	s2 =	simm.s32 @!p1 $0x80;
	[sflag:s0] =	ssyncadd.s32 @!p1 $0xFFFFFFFF  }
0xc5: {  	[spmem:s15] =	stream.linear.scatter @!p1 [tilespmem:s2], [sflag:$0x1], $0x1, $0x38;
	[tilespmem:$0xF030] =	vst v63  }
0xc6: {  	_ =	swait.ge @!p1 [sflag:s0], $0x1  }
0xc7: {  	[sflag:s0] =	ssyncset.done @!p1 $0x0  }
0xc8: {  	[sflag:s0] =	ssyncadd.s32 @!p1 $0xFFFFFFFF;
	(ifvalue) =	ssetifvalue $0xFFFFFFFF;
	v3 =	vld [tilespmem:s25+$0x10];
	_ =	sdelay $0x3  }
.Ltmp6:
0xc9: {  	_ = 	snop;
	(pc) =	sbr.rel .LBB2_9-.Ltmp6, $3  }
0xca: {  	_ =	sdelay $0x1  }
0xcb: {  	(ifvalue) =	ssetifvalue $0xFFFFFFFF  }
0xcc: {  	[hbm4b:s1+s16] =	stream.indirect_vreg.scatter [tilespmem:s29], [sflag:$0x9], $0x1, v3, vm0, $0x4038;
	[tilespmem:$0xF030] =	vst v63  }
.LBB2_10:
0xcd: {  	_ =	sfence.sel $0x180000  }
0xce: {  	s0 =	simm.s32 $0x7;
	[bflag:$0x0] =	sbarrier.arrive $0xFFFF  }
0xcf: {  	s26 =	simm.s32 $0x8;
	[sflag:s0] =	ssyncpa.u1 $0x1  }
0xd0: {  	s28 =	simm.s32 $0x9;
	[sflag:s26] =	ssyncpa.u1 $0x1  }
0xd1: {  	[sflag:s28] =	ssyncpa.u1 $0x1  }
0xd2: {  	_ =	sfence.stream.spmem  }
0xd3: {  	s29 =	simm.s32 $0x3;
	[bflag:$0x0] =	sbarrier.arrive $0xFFFF  }
0xd4: {  	s30 =	simm.s32 $0x4;
	[sflag:s29] =	ssyncpa.u1 $0x1  }
0xd5: {  	s31 =	simm.s32 $0x3C;
	s2 =	stileid.u32;
	[sflag:s30] =	ssyncpa.u1 $0x1  }
0xd6: {  	p0 =	sne.s32 s2, $0x0;
	[sflag:s31] =	ssyncpa.u1 $0x1  }
0xd7: {  	s0 =	simm.s32 @p0 $0x1;
	_ =	sfence @p0  }
0xd8: {  	[sflag:s0] =	ssyncpa.u1 @p0 $0x1;
	s0 =	simm.s32 @p0 $0x2  }
0xd9: {  	[sflag:s0] =	ssyncpa.u1 @p0 $0x1  }
0xda: {  	_ =	strace @p0 $0x90000047  }
0xdb: {  	[bflag:$0x2] =	sbarrier.arrive @p0 $0xFFFF  }
0xdc: {  	_ =	shalt @p0  }
.LBB2_11:
0xdd: {  	_ =	sfence.stream.spmem;
	s0 =	simm.s32 $0x5  }
0xde: {  	s2 =	simm.s32 $0x80;
	s3 =	simm.s32 $0xC0;
	[sflag:s0] =	ssyncpa.u1 $0x0  }
0xdf: {  	[tilespmem:s3], [sflag:$0x5] =	stream.linear.gather [spmem:s2], $0x20, $0x38;
	[tilespmem:$0xF030] =	vst v63  }
0xe0: {  	s2 =	simm.s32 $0x0;
	s3 =	simm.s32 $0xE0  }
0xe1: {  	[tilespmem:s3], [sflag:$0x5] =	stream.linear.gather [spmem:s2], $0x20, $0x38;
	[tilespmem:$0xF030] =	vst v63  }
.Ltmp7:
0xe2: {  	_ = 	snop;
	(pc) =	sbr.rel .LBB2_12-.Ltmp7, $4  }
0xe3: {  	_ =	swait.ge [sflag:s0], $0x40  }
0xe4: {  	[sflag:s0] =	ssyncset.done $0x0  }
0xe5: {  	s31 =	simm.s32 $0x6;
	[sflag:s0] =	ssyncadd.s32 $0xFFFFFFC0  }
0xe6: {  	s4 =	simm.s32 $0x0;
	[sflag:s31] =	ssyncpa.u1 $0x0  }
.LBB2_17:
0xe7: {  	p0 =	sgt.u32 s5, $0xC3FF  }
0xe8: {  	s0 =	sshrl.u32 @!p0 s5, $0x3  }
0xe9: {  	s5 =	sand.u32 @!p0 $0x7, s5;
	s6 =	simm.s32 @!p0 $0xB0;
	s0 =	sadd.s32 @!p0 s1, s0  }
0xea: {  	[tilespmem:s6], [sflag:$0x6] =	stream.linear.gather @!p0 [hbm4b:s0+s5], $0x1, $0x38;
	[tilespmem:$0xF030] =	vst v63  }
0xeb: {  	s0 =	simm.s32 @!p0 $0x6  }
0xec: {  	_ =	swait.ge @!p0 [sflag:s0], $0x1  }
0xed: {  	[sflag:s0] =	ssyncset.done @!p0 $0x0  }
0xee: {  	[sflag:s0] =	ssyncadd.s32 @!p0 $0xFFFFFFFF  }
0xef: {  	v2 =	vmov @!p0 s4;
	v1 =	vld.msk @!p0 [tilespmem:$0xB0], $0x1;
	_ =	sdelay $0x3  }
0xf0: {  	s0 =	simm.s32 @!p0 $0xE0  }
0xf1: {  	[tilespmem:v2+s0+$0x0], v1 =	vst.idx.ret.add.f32.msk @!p0 $0x1, v1  }
0xf2: {  	[tilespmem:s2+$0xC0] =	vst.msk $0x1, v0  }
0xf3: {  	v0 =	vld.msk [tilespmem:s4+$0xE0], $0x1;
	_ =	sdelay $0x4  }
0xf4: {  	[tilespmem:s2+$0xE0] =	vst.msk $0x1, v0;
	s2 =	sadd.s32 $0x1, s2  }
.LBB2_19:
0xf5: {  	s4 =	sadd.s32 $0x1, s4  }
0xf6: {  	p0 =	sne.s32 s4, $0x20  }
.Ltmp8:
0xf7: {  	_ = 	snop;
	(pc) =	sbr.rel @!p0 .LBB2_20-.Ltmp8, $1  }
0xf8: {  	_ =	sdelay $0x3  }
.LBB2_12:
0xf9: {  	v0 =	vld.msk [tilespmem:s4+$0xC0], $0x1;
	_ =	sdelay $0x4  }
0xfa: {  	(v2sf) =	vpush v0, $0x0;
	_ =	sdelay $0xe  }
0xfb: {  	s5 =	spop (v2sf)  }
0xfc: {  	p0 =	seq.s32 s5, $0xFFFFFFFF  }
.Ltmp9:
0xfd: {  	_ = 	snop;
	(pc) =	sbr.rel @p0 .LBB2_19-.Ltmp9, $1  }
0xfe: {  	_ =	sdelay $0x3  }
0xff: {  	p0 =	slt.s32 s2, $0x1  }
.Ltmp10:
0x100: {  	_ = 	snop;
	(pc) =	sbr.rel @p0 .LBB2_17-.Ltmp10, $1  }
0x101: {  	_ =	sdelay $0x3  }
0x102: {  	s0 =	simm.s32 $0xC0;
	p0 =	por $0x0, $0x0  }
0x103: {  	v1 =	vld.msk @!p0 [tilespmem:s0+$0x0], $0x1;
	_ =	sdelay $0x4  }
0x104: {  	(v2sf) =	vpush @!p0 v1, $0x0;
	_ =	sdelay $0xd  }
0x105: {  	p2 =	sne.s32 s2, $0x1  }
.Ltmp11:
0x106: {  	s6 =	spop @!p0 (v2sf);
	(pc) =	sbr.rel @!p2 .LBB2_16-.Ltmp11, $4  }
0x107: {  	p1 =	seq.s32 @!p0 s5, s6  }
0x108: {  	s6 =	simm.s32 $0x0;
	p1 =	por !p1, p0  }
0x109: {  	s8 =	simm.s32 $0xFFFFFFFF;
	s6 =	simm.s32 @p1 $0xFFFFFFFF  }
0x10a: {  	s7 =	simm.s32 $0x1;
	s6 =	smov.u32 @p0 s8  }
.LBB2_15:
0x10b: {  	s8 =	smov.u32 s6;
	p0 =	sne.s32 s6, $0xFFFFFFFF  }
0x10c: {  	s0 =	sadd.s32 $0x1, s0;
	s6 =	smov.u32 s7;
	s7 =	sadd.s32 $0x1, s7  }
0x10d: {  	p1 =	sne.s32 s2, s7;
	v1 =	vld.msk @!p0 [tilespmem:s0+$0x0], $0x1;
	_ =	sdelay $0x4  }
0x10e: {  	(v2sf) =	vpush @!p0 v1, $0x0;
	_ =	sdelay $0xe  }
.Ltmp12:
0x10f: {  	s9 =	spop @!p0 (v2sf);
	(pc) =	sbr.rel @p1 .LBB2_15-.Ltmp12, $4  }
0x110: {  	p2 =	seq.s32 @!p0 s5, s9  }
0x111: {  	p2 =	por !p2, p0  }
0x112: {  	s6 =	simm.s32 @p2 $0xFFFFFFFF  }
0x113: {  	s6 =	smov.u32 @p0 s8  }
.LBB2_16:
0x114: {  	p0 =	sne.s32 s6, $0xFFFFFFFF  }
.Ltmp13:
0x115: {  	_ = 	snop;
	(pc) =	sbr.rel @!p0 .LBB2_17-.Ltmp13, $1  }
0x116: {  	_ =	sdelay $0x3  }
0x117: {  	v0 =	vld.msk [tilespmem:s4+$0xE0], $0x1;
	v1 =	vmov s6  }
.Ltmp14:
0x118: {  	_ = 	snop;
	(pc) =	sbr.rel .LBB2_19-.Ltmp14, $2  }
0x119: {  	_ =	sdelay $0x2  }
0x11a: {  	[tilespmem:v1+s3+$0x0], v0 =	vst.idx.ret.add.f32.msk $0x1, v0  }
.LBB2_20:
0x11b: {  	p0 =	slt.s32 s2, $0x1  }
.Ltmp15:
0x11c: {  	_ = 	snop;
	(pc) =	sbr.rel @p0 .LBB2_24-.Ltmp15, $3  }
0x11d: {  	_ =	sdelay $0x1  }
0x11e: {  	s0 =	simm.s32 $0x6  }
0x11f: {  	s3 =	simm.s32 $0x0;
	[sflag:s0] =	ssyncpa.u1 $0x1  }
0x120: {  	s0 =	simm.s32 $0xC0  }
0x121: {  	v0 =	vld.msk [tilespmem:s0+$0x0], $0x1;
	_ =	sdelay $0x4  }
0x122: {  	(v2sf) =	vpush v0, $0x0;
	_ =	sdelay $0xe  }
0x123: {  	s2 =	sadd.s32 $0xFFFFFFFF, s2;
	s4 =	spop (v2sf)  }
0x124: {  	p1 =	sne.s32 s2, $0x0;
	p0 =	sgt.u32 s4, $0xC3FF  }
.Ltmp16:
0x125: {  	s5 =	sshrl.u32 @!p0 s4, $0x3;
	(pc) =	sbr.rel @!p1 .LBB2_23-.Ltmp16, $4  }
0x126: {  	s0 =	simm.s32 $0xE0;
	s4 =	sand.u32 @!p0 $0x7, s4;
	s5 =	sadd.s32 @!p0 s1, s5  }
0x127: {  	[hbm4b:s5+s4] =	stream.linear.scatter @!p0 [tilespmem:s0], [sflag:$0x5], $0x1, $0x38;
	[tilespmem:$0xF030] =	vst v63  }
0x128: {  	s5 =	simm.s32 $0x0  }
0x129: {  	s4 =	simm.s32 $0xC1;
	s5 =	simm.s32 @!p0 $0x4  }
.LBB2_22:
0x12a: {  	v0 =	vld.msk [tilespmem:s4+$0x0], $0x1;
	s2 =	sadd.s32 $0xFFFFFFFF, s2;
	s3 =	sadd.s32 s3, s5  }
0x12b: {  	p0 =	sne.s32 s2, $0x0;
	_ =	sdelay $0x3  }
0x12c: {  	(v2sf) =	vpush v0, $0x0;
	_ =	sdelay $0xe  }
.Ltmp17:
0x12d: {  	s6 =	spop (v2sf);
	(pc) =	sbr.rel @p0 .LBB2_22-.Ltmp17, $4  }
0x12e: {  	s5 =	simm.s32 $0x0;
	p1 =	sgt.u32 s6, $0xC3FF  }
0x12f: {  	s0 =	sadd.s32 $0x1, s0;
	s5 =	simm.s32 @!p1 $0x4;
	s7 =	sshrl.u32 @!p1 s6, $0x3  }
0x130: {  	s4 =	sadd.s32 $0x1, s4;
	s6 =	sand.u32 @!p1 $0x7, s6;
	s7 =	sadd.s32 @!p1 s1, s7  }
0x131: {  	[hbm4b:s7+s6] =	stream.linear.scatter @!p1 [tilespmem:s0], [sflag:$0x5], $0x1, $0x38;
	[tilespmem:$0xF030] =	vst v63  }
.LBB2_23:
0x132: {  	s0 =	sadd.s32 s3, s5  }
0x133: {  	s3 =	sshrl.u32 s0, $0x2  }
.LBB2_24:
0x134: {  	s0 =	simm.s32 $0x5  }
0x135: {  	_ =	swait.ge [sflag:s0], s3  }
0x136: {  	s1 =	ssub.s32 $0x0, s3;
	[sflag:s0] =	ssyncset.done $0x0  }
0x137: {  	[sflag:s0] =	ssyncadd.s32 s1  }
0x138: {  	[sflag:s0] =	ssyncpa.u1 $0x1  }
0x139: {  	s29 =	simm.s32 $0x1;
	_ =	sfence  }
0x13a: {  	s30 =	simm.s32 $0x2;
	[sflag:s29] =	ssyncpa.u1 $0x1  }
0x13b: {  	[sflag:s30] =	ssyncpa.u1 $0x1  }
0x13c: {  	_ =	strace $0x90000047  }
0x13d: {  	[bflag:$0x2] =	sbarrier.arrive $0xFFFF  }
0x13e: {  	s31 =	rddreg [dreg:$0x1]  }
0x13f: {  	s0 =	sadd.s32 $0x100000, s31  }
0x140: {  	[sflag:s0] =	ssyncadd.tile.s32 $0x1;
	_ =	shalt  }
.Lfunc_end2:
_tile_overlayer_lowered:
.L_overlay_start_2:
0x141: {  	(tag) =	ssettag $0x2  }
0x142: {  	s0 =	rddreg [dreg:$0x0];
	s2 =	stileid.u32  }
0x143: {  	s1 =	rddreg [dreg:$0x1];
	p0 =	sne.s32 s2, $0x0  }
0x144: {  	s3 =	rddreg [dreg:$0x2];
	[bflag:$0x3] =	sbarrier.arrive $0xFFFF;
	s2 =	simm.s32 @!p0 $0x1C01  }
0x145: {  	[timem:s3], [sflag:s2] =	dma.local @!p0 [hbm:s0], s1  }
0x146: {  	s0 =	simm.s32 @!p0 $0x1  }
0x147: {  	_ =	swait.ge @!p0 [sflag:s0], s1  }
0x148: {  	s1 =	ssub.s32 @!p0 $0x0, s1;
	[sflag:s0] =	ssyncset.done @!p0 $0x0  }
0x149: {  	[sflag:s0] =	ssyncadd.s32 @!p0 s1  }
0x14a: {  	[bflag:$0x3] =	sbarrier.arrive $0xFFFF  }
0x14b: {  	_ =	shalt  }

</sc_bundles>
